<compile_context>
chip_gen: v7x
topology: tpu7x:2x2x1
jax: 0.10.2.dev20260603
libtpu: 0.0.44.dev20260713+nightly
codegen_flags: <defaults>
</compile_context>

<pallas_src>
import functools

import jax
import jax.numpy as jnp
from jax.experimental import pallas as pl
from jax.experimental.pallas import tpu as pltpu
from jax.experimental.pallas import tpu_sc as plsc

B = 16384
INPUT_DIM = 512
H1 = 512
H2 = 256
LATENT = 32
K = 8192
NCLS = 10
BETA = 0.25

MB_A = 2048
MB_B = 512
KC = 4096
MB_C = 2048


def _bf16_dot(a, b):
    kdim = a.shape[1]
    acc = None
    for k0 in range(0, kdim, 256):
        p = jnp.dot(a[:, k0:k0 + 256].astype(jnp.bfloat16),
                    b[k0:k0 + 256, :].astype(jnp.bfloat16),
                    preferred_element_type=jnp.float32)
        acc = p if acc is None else acc + p
    return acc


def _enc_body(x_ref, w1_ref, b1_ref, w2_ref, b2_ref, w3_ref, b3_ref, ze_ref):
    h = jnp.maximum(_bf16_dot(x_ref[...], w1_ref[...]) + b1_ref[...], 0.0)
    h = jnp.maximum(_bf16_dot(h, w2_ref[...]) + b2_ref[...], 0.0)
    ze_ref[...] = _bf16_dot(h, w3_ref[...]) + b3_ref[...]


def _quant_body(ze_ref, zn_ref, en_ref, cbt_ref, idx_ref):
    ze = ze_ref[...]
    zn = zn_ref[...]
    run_m = jnp.full((MB_B, 1), jnp.inf, dtype=jnp.float32)
    run_i = jnp.zeros((MB_B, 1), dtype=jnp.int32)
    for c in range(K // KC):
        mm = jnp.dot(ze, cbt_ref[:, pl.ds(c * KC, KC)],
                     preferred_element_type=jnp.float32)
        d = (zn + en_ref[:, pl.ds(c * KC, KC)]) - 2.0 * mm
        m = jnp.min(d, axis=1, keepdims=True)
        col = jax.lax.broadcasted_iota(jnp.int32, (MB_B, KC), 1) + c * KC
        i = jnp.min(jnp.where(d == m, col, jnp.int32(2**30)),
                    axis=1, keepdims=True)
        upd = m < run_m
        run_i = jnp.where(upd, i, run_i)
        run_m = jnp.where(
            upd, m.astype(jnp.bfloat16).astype(jnp.float32), run_m)
    idx_ref[...] = run_i


def _dec_body(zq_ref, ze_ref, counts_ref, w1_ref, b1_ref, w2_ref, b2_ref,
              w3_ref, b3_ref, xr_ref, sq_ref, us_ref):
    i = pl.program_id(0)
    zq = zq_ref[...]
    d = jnp.maximum(_bf16_dot(zq, w1_ref[...]) + b1_ref[...], 0.0)
    d = jnp.maximum(_bf16_dot(d, w2_ref[...]) + b2_ref[...], 0.0)
    xr_ref[...] = _bf16_dot(d, w3_ref[...]) + b3_ref[...]
    sq = jnp.sum((zq - ze_ref[...]) ** 2, axis=(0, 1), keepdims=True)

    @pl.when(i == 0)
    def _():
        sq_ref[...] = jnp.zeros((1, 1), jnp.float32)
        counts = counts_ref[...]
        total = jnp.sum(counts, axis=1, keepdims=True)
        probs = counts / (total + 1e-08)
        valid = probs > 0
        n_valid = jnp.sum(valid.astype(jnp.float32), axis=1, keepdims=True)
        safe_p = jnp.where(valid, probs, 1.0)
        us_ref[...] = jnp.sum(
            jnp.where(valid, probs * jnp.log(safe_p * n_valid), 0.0),
            axis=1, keepdims=True)

    sq_ref[...] += sq


def _encoder(x, w1, b1, w2, b2, w3, b3):
    grid = B // MB_A
    return pl.pallas_call(
        _enc_body,
        grid=(grid,),
        in_specs=[
            pl.BlockSpec((MB_A, INPUT_DIM), lambda i: (i, 0)),
            pl.BlockSpec((INPUT_DIM, H1), lambda i: (0, 0)),
            pl.BlockSpec((1, H1), lambda i: (0, 0)),
            pl.BlockSpec((H1, H2), lambda i: (0, 0)),
            pl.BlockSpec((1, H2), lambda i: (0, 0)),
            pl.BlockSpec((H2, LATENT), lambda i: (0, 0)),
            pl.BlockSpec((1, LATENT), lambda i: (0, 0)),
        ],
        out_specs=pl.BlockSpec((MB_A, LATENT), lambda i: (i, 0)),
        out_shape=jax.ShapeDtypeStruct((B, LATENT), jnp.float32),
    )(x, w1, b1, w2, b2, w3, b3)


def _quantize(ze, zn, en, cbt):
    grid = B // MB_B
    return pl.pallas_call(
        _quant_body,
        grid=(grid,),
        in_specs=[
            pl.BlockSpec((MB_B, LATENT), lambda i: (i, 0)),
            pl.BlockSpec((MB_B, 1), lambda i: (i, 0)),
            pl.BlockSpec((1, K), lambda i: (0, 0)),
            pl.BlockSpec((LATENT, K), lambda i: (0, 0)),
        ],
        out_specs=pl.BlockSpec((MB_B, 1), lambda i: (i, 0)),
        out_shape=jax.ShapeDtypeStruct((B, 1), jnp.int32),
    )(ze, zn, en, cbt)


def _decoder(zq, ze, counts, w1, b1, w2, b2, w3, b3):
    grid = B // MB_C
    return pl.pallas_call(
        _dec_body,
        grid=(grid,),
        in_specs=[
            pl.BlockSpec((MB_C, LATENT), lambda i: (i, 0)),
            pl.BlockSpec((MB_C, LATENT), lambda i: (i, 0)),
            pl.BlockSpec((1, K), lambda i: (0, 0)),
            pl.BlockSpec((LATENT, H2), lambda i: (0, 0)),
            pl.BlockSpec((1, H2), lambda i: (0, 0)),
            pl.BlockSpec((H2, H1), lambda i: (0, 0)),
            pl.BlockSpec((1, H1), lambda i: (0, 0)),
            pl.BlockSpec((H1, INPUT_DIM), lambda i: (0, 0)),
            pl.BlockSpec((1, INPUT_DIM), lambda i: (0, 0)),
        ],
        out_specs=[
            pl.BlockSpec((MB_C, INPUT_DIM), lambda i: (i, 0)),
            pl.BlockSpec((1, 1), lambda i: (0, 0)),
            pl.BlockSpec((1, 1), lambda i: (0, 0)),
        ],
        out_shape=[
            jax.ShapeDtypeStruct((B, INPUT_DIM), jnp.float32),
            jax.ShapeDtypeStruct((1, 1), jnp.float32),
            jax.ShapeDtypeStruct((1, 1), jnp.float32),
        ],
    )(zq, ze, counts, w1, b1, w2, b2, w3, b3)


_SC_NW = 32
_SC_BPW = B // _SC_NW


def _sc_gather(codebook, idx):
    mesh = plsc.VectorSubcoreMesh(core_axis_name="c", subcore_axis_name="s")

    @functools.partial(
        pl.kernel, mesh=mesh,
        out_type=jax.ShapeDtypeStruct((B, 128), jnp.float32),
        scratch_types=[
            pltpu.VMEM((_SC_BPW,), jnp.int32),
            pltpu.VMEM((_SC_BPW, 128), jnp.float32),
            pltpu.SemaphoreType.DMA,
        ],
    )
    def k(cb_hbm, idx_hbm, out_hbm, idx_v, rows_v, sem):
        wid = jax.lax.axis_index("s") * 2 + jax.lax.axis_index("c")
        base = wid * _SC_BPW
        pltpu.sync_copy(idx_hbm.at[pl.ds(base, _SC_BPW)], idx_v)
        pltpu.async_copy(cb_hbm.at[idx_v], rows_v, sem).wait()
        pltpu.sync_copy(rows_v, out_hbm.at[pl.ds(base, _SC_BPW)])

    return k(codebook, idx)


def kernel(x, y, enc_W1, enc_b1, enc_W2, enc_b2, enc_W3, enc_b3,
           dec_W1, dec_b1, dec_W2, dec_b2, dec_W3, dec_b3, codebook):
    del y
    z_e = _encoder(x, enc_W1, enc_b1.reshape(1, H1), enc_W2,
                   enc_b2.reshape(1, H2), enc_W3, enc_b3.reshape(1, LATENT))
    z_norm2 = jnp.sum(z_e ** 2, axis=1, keepdims=True)
    e_norm2 = jnp.sum(codebook ** 2, axis=1)[None, :]
    cbt = codebook.T
    code_idx = _quantize(z_e, z_norm2, e_norm2, cbt).reshape(B)

    cb_pad = jnp.pad(codebook, ((0, 0), (0, 128 - LATENT)))
    z_q = _sc_gather(cb_pad, code_idx)[:, :LATENT]
    counts = jnp.bincount(code_idx, length=K).astype(jnp.float32)[None, :]

    x_rec, sq, usage_loss = _decoder(
        z_q, z_e, counts, dec_W1, dec_b1.reshape(1, H2), dec_W2,
        dec_b2.reshape(1, H1), dec_W3, dec_b3.reshape(1, INPUT_DIM))
    m = sq[0, 0] / jnp.float32(B * LATENT)
    vq_loss = m + BETA * m
    return (x_rec, vq_loss, usage_loss[0, 0], code_idx)

# --- scband reference (transcript-rebuilt; emitter-appended) ---
"""Pipeline reference for scband-class-conditional-vqvae-24068996727435 (READ-ONLY COPY).

The authoritative reference and input builder live on the scoring server;
editing this copy changes nothing except your own understanding.
"""

import jax, jax.numpy as jnp
import numpy as np

B = 16384
INPUT_DIM = 512
H1 = 512
H2 = 256
LATENT = 32
K = 8192
NCLS = 10
BETA = 0.25


def _linear_init(key, fan_in, fan_out):
    bound = 1.0 / np.sqrt(fan_in)
    kw, kb = jax.random.split(key)
    W = jax.random.uniform(kw, (fan_in, fan_out), minval=-bound, maxval=bound, dtype=jnp.float32)
    b = jax.random.uniform(kb, (fan_out,), minval=-bound, maxval=bound, dtype=jnp.float32)
    return W, b


def setup_inputs(seed: int = 0) -> dict:
    key = jax.random.key(seed)
    ks = jax.random.split(key, 10)
    x = jax.random.normal(ks[0], (B, INPUT_DIM), dtype=jnp.float32)
    y = jax.random.randint(ks[1], (B,), 0, NCLS, dtype=jnp.int64) if jax.config.jax_enable_x64 else jax.random.randint(ks[1], (B,), 0, NCLS, dtype=jnp.int32)
    enc_W1, enc_b1 = _linear_init(ks[2], INPUT_DIM, H1)
    enc_W2, enc_b2 = _linear_init(ks[3], H1, H2)
    enc_W3, enc_b3 = _linear_init(ks[4], H2, LATENT)
    dec_W1, dec_b1 = _linear_init(ks[5], LATENT, H2)
    dec_W2, dec_b2 = _linear_init(ks[6], H2, H1)
    dec_W3, dec_b3 = _linear_init(ks[7], H1, INPUT_DIM)
    codebook = jax.random.uniform(ks[8], (K, LATENT), minval=-1.0 / K, maxval=1.0 / K, dtype=jnp.float32)
    return {
        'x': x, 'y': y,
        'enc_W1': enc_W1, 'enc_b1': enc_b1,
        'enc_W2': enc_W2, 'enc_b2': enc_b2,
        'enc_W3': enc_W3, 'enc_b3': enc_b3,
        'dec_W1': dec_W1, 'dec_b1': dec_b1,
        'dec_W2': dec_W2, 'dec_b2': dec_b2,
        'dec_W3': dec_W3, 'dec_b3': dec_b3,
        'codebook': codebook,
    }


def reference(x, y, enc_W1, enc_b1, enc_W2, enc_b2, enc_W3, enc_b3,
              dec_W1, dec_b1, dec_W2, dec_b2, dec_W3, dec_b3, codebook):
    # encoder
    h = jax.nn.relu(x @ enc_W1 + enc_b1)
    h = jax.nn.relu(h @ enc_W2 + enc_b2)
    z_e = h @ enc_W3 + enc_b3
    # shared-codebook quantization
    z_norm2 = jnp.sum(z_e ** 2, axis=1, keepdims=True)
    e_norm2 = jnp.sum(codebook ** 2, axis=1)[None, :]
    dist = z_norm2 + e_norm2 - 2.0 * (z_e @ codebook.T)
    code_idx = jnp.argmin(dist, axis=1)
    z_q = jnp.take(codebook, code_idx, axis=0)
    # usage loss
    counts = jnp.bincount(code_idx, length=K).astype(jnp.float32)
    probs = counts / (counts.sum() + 1e-08)
    valid = probs > 0
    n_valid = jnp.sum(valid).astype(jnp.float32)
    safe_p = jnp.where(valid, probs, 1.0)
    usage_loss = jnp.sum(jnp.where(valid, probs * jnp.log(safe_p * n_valid), 0.0))
    # vq loss (codebook-commitment form)
    vq_loss = jnp.mean((jax.lax.stop_gradient(z_q) - z_e) ** 2) \
        + BETA * jnp.mean((z_q - jax.lax.stop_gradient(z_e)) ** 2)
    # straight-through
    z_st = z_e + jax.lax.stop_gradient(z_q - z_e)
    # decoder
    d = jax.nn.relu(z_st @ dec_W1 + dec_b1)
    d = jax.nn.relu(d @ dec_W2 + dec_b2)
    x_rec = d @ dec_W3 + dec_b3
    return (x_rec, vq_loss, usage_loss, code_idx)

if __name__ == "__main__":
    import jax
    _d = setup_inputs()
    print(jax.jit(kernel)(*tuple(_d.values())))

</pallas_src>

<mosaic_0001>
#map = affine_map<(d0, d1) -> (0, 0)>
#map1 = affine_map<(d0, d1) -> (0)>
module attributes {stable_mosaic.version = 14 : i64} {
  func.func @k(%arg0: i32, %arg1: i32, %arg2: memref<8192x128xf32, #tpu.memory_space<hbm>>, %arg3: memref<16384xi32, #tpu.memory_space<hbm>>, %arg4: memref<16384x128xf32, #tpu.memory_space<hbm>>, %arg5: memref<512xi32, #tpu.memory_space<vmem>>, %arg6: memref<512x128xf32, #tpu.memory_space<vmem>>, %arg7: memref<!tpu.dma_semaphore, #tpu.memory_space<semaphore_mem>>) attributes {dimension_semantics = [#tpu.dimension_semantics<core_parallel>, #tpu.dimension_semantics<subcore_parallel>], iteration_bounds = array<i64: 2, 16>, scalar_prefetch = 0 : i64, scratch_operands = 3 : i64, tpu.core_type = #tpu.core_type<sc_vector_subcore>, window_params = [{transform_indices = #map}, {transform_indices = #map1}, {transform_indices = #map}]} {
    %mul3A = arith.constant 2 : i32
    %mul3A_0 = arith.muli %arg1, %mul3A : i32
    %add3A = arith.addi %mul3A_0, %arg0 : i32
    %mul3A_1 = arith.constant 512 : i32
    %mul3A_2 = arith.muli %add3A, %mul3A_1 : i32
    "tpu.region"() ({
      %run_scoped3A = tpu.sem_alloc : memref<!tpu.dma_semaphore, #tpu.memory_space<semaphore_mem>>
      %dma_start3A_7 = tpu.memref_slice %arg3[%mul3A_2] : memref<16384xi32, #tpu.memory_space<hbm>> -> memref<512xi32, #tpu.memory_space<hbm>>
      %dma_start3A_8 = tpu.memref_slice %arg3[%mul3A_2] : memref<16384xi32, #tpu.memory_space<hbm>> -> memref<512xi32, #tpu.memory_space<hbm>>
      tpu.enqueue_dma source(%dma_start3A_8 : memref<512xi32, #tpu.memory_space<hbm>>) target(%arg5 : memref<512xi32, #tpu.memory_space<vmem>>) target_semaphore(%run_scoped3A : memref<!tpu.dma_semaphore, #tpu.memory_space<semaphore_mem>>)
      %dma_wait3A_9 = tpu.memref_slice %arg3[%mul3A_2] : memref<16384xi32, #tpu.memory_space<hbm>> -> memref<512xi32, #tpu.memory_space<hbm>>
      %dma_wait3A_10 = tpu.memref_slice %arg3[%mul3A_2] : memref<16384xi32, #tpu.memory_space<hbm>> -> memref<512xi32, #tpu.memory_space<hbm>>
      tpu.wait_dma2 semaphore(%run_scoped3A : memref<!tpu.dma_semaphore, #tpu.memory_space<semaphore_mem>>) src(%dma_wait3A_10 : memref<512xi32, #tpu.memory_space<hbm>>) dst(%arg5 : memref<512xi32, #tpu.memory_space<vmem>>)
      tpu.yield
    }) : () -> ()
    %dma_start3A = arith.constant 0 : i32
    %dma_start3A_3 = arith.constant 0 : i32
    %dma_start3A_4 = tpu.memref_slice %arg2[%dma_start3A, %dma_start3A_3] : memref<8192x128xf32, #tpu.memory_space<hbm>> -> memref<8192x128xf32, #tpu.memory_space<hbm>>
    tpu.enqueue_indirect_dma source(%dma_start3A_4 : memref<8192x128xf32, #tpu.memory_space<hbm>>) target(%arg6 : memref<512x128xf32, #tpu.memory_space<vmem>>) offsets(%arg5 : memref<512xi32, #tpu.memory_space<vmem>>) semaphore(%arg7 : memref<!tpu.dma_semaphore, #tpu.memory_space<semaphore_mem>>)
    %dma_wait3A = arith.constant 0 : i32
    %dma_wait3A_5 = arith.constant 0 : i32
    %dma_wait3A_6 = tpu.memref_slice %arg2[%dma_wait3A, %dma_wait3A_5] : memref<8192x128xf32, #tpu.memory_space<hbm>> -> memref<8192x128xf32, #tpu.memory_space<hbm>>
    tpu.wait_indirect_dma semaphore(%arg7 : memref<!tpu.dma_semaphore, #tpu.memory_space<semaphore_mem>>) src(%dma_wait3A_6 : memref<8192x128xf32, #tpu.memory_space<hbm>>) dst(%arg6 : memref<512x128xf32, #tpu.memory_space<vmem>>)
    "tpu.region"() ({
      %run_scoped3A = tpu.sem_alloc : memref<!tpu.dma_semaphore, #tpu.memory_space<semaphore_mem>>
      %dma_start3A_7 = arith.constant 0 : i32
      %dma_start3A_8 = tpu.memref_slice %arg4[%mul3A_2, %dma_start3A_7] : memref<16384x128xf32, #tpu.memory_space<hbm>> -> memref<512x128xf32, #tpu.memory_space<hbm>>
      %dma_start3A_9 = arith.constant 0 : i32
      %dma_start3A_10 = tpu.memref_slice %arg4[%mul3A_2, %dma_start3A_9] : memref<16384x128xf32, #tpu.memory_space<hbm>> -> memref<512x128xf32, #tpu.memory_space<hbm>>
      tpu.enqueue_dma source(%arg6 : memref<512x128xf32, #tpu.memory_space<vmem>>) target(%dma_start3A_10 : memref<512x128xf32, #tpu.memory_space<hbm>>) target_semaphore(%run_scoped3A : memref<!tpu.dma_semaphore, #tpu.memory_space<semaphore_mem>>)
      %dma_wait3A_11 = arith.constant 0 : i32
      %dma_wait3A_12 = tpu.memref_slice %arg4[%mul3A_2, %dma_wait3A_11] : memref<16384x128xf32, #tpu.memory_space<hbm>> -> memref<512x128xf32, #tpu.memory_space<hbm>>
      %dma_wait3A_13 = arith.constant 0 : i32
      %dma_wait3A_14 = tpu.memref_slice %arg4[%mul3A_2, %dma_wait3A_13] : memref<16384x128xf32, #tpu.memory_space<hbm>> -> memref<512x128xf32, #tpu.memory_space<hbm>>
      tpu.wait_dma2 semaphore(%run_scoped3A : memref<!tpu.dma_semaphore, #tpu.memory_space<semaphore_mem>>) src(%arg6 : memref<512x128xf32, #tpu.memory_space<vmem>>) dst(%dma_wait3A_14 : memref<512x128xf32, #tpu.memory_space<hbm>>)
      tpu.yield
    }) : () -> ()
    return
  }
}

module attributes {stable_mosaic.version = 14 : i64} {
  func.func @_enc_body(%arg0: i32, %arg1: memref<2048x512xf32, #tpu.memory_space<vmem>>, %arg2: memref<512x512xf32, #tpu.memory_space<vmem>>, %arg3: memref<1x512xf32, #tpu.memory_space<vmem>>, %arg4: memref<512x256xf32, #tpu.memory_space<vmem>>, %arg5: memref<1x256xf32, #tpu.memory_space<vmem>>, %arg6: memref<256x32xf32, #tpu.memory_space<vmem>>, %arg7: memref<1x32xf32, #tpu.memory_space<vmem>>, %arg8: memref<2048x32xf32, #tpu.memory_space<vmem>>) attributes {dimension_semantics = [#tpu.dimension_semantics<arbitrary>], iteration_bounds = array<i64: 8>, scalar_prefetch = 0 : i64, scratch_operands = 0 : i64, tpu.core_type = #tpu.core_type<tc>, window_params = [{transform_indices = @transform_0, window_bounds = array<i64: 2048, 512>}, {pipeline_mode = #tpu.pipeline_mode<synchronous>, transform_indices = @transform_1, window_bounds = array<i64: 512, 512>}, {pipeline_mode = #tpu.pipeline_mode<synchronous>, transform_indices = @transform_2, window_bounds = array<i64: 1, 512>}, {pipeline_mode = #tpu.pipeline_mode<synchronous>, transform_indices = @transform_3, window_bounds = array<i64: 512, 256>}, {pipeline_mode = #tpu.pipeline_mode<synchronous>, transform_indices = @transform_4, window_bounds = array<i64: 1, 256>}, {pipeline_mode = #tpu.pipeline_mode<synchronous>, transform_indices = @transform_5, window_bounds = array<i64: 256, 32>}, {pipeline_mode = #tpu.pipeline_mode<synchronous>, transform_indices = @transform_6, window_bounds = array<i64: 1, 32>}, {transform_indices = @transform_7, window_bounds = array<i64: 2048, 32>}]} {
    %get3A = arith.constant 0 : index
    %get3A_0 = arith.constant 0 : index
    %get3A_1 = vector.load %arg1[%get3A, %get3A_0] : memref<2048x512xf32, #tpu.memory_space<vmem>>, vector<2048x512xf32>
    %get3A_2 = arith.constant 0 : index
    %get3A_3 = arith.constant 0 : index
    %get3A_4 = vector.load %arg2[%get3A_2, %get3A_3] : memref<512x512xf32, #tpu.memory_space<vmem>>, vector<512x512xf32>
    %slice3A = vector.extract_strided_slice %get3A_1 {offsets = [0, 0], sizes = [2048, 256], strides = [1, 1]} : vector<2048x512xf32> to vector<2048x256xf32>
    %convert_element_type3A = arith.truncf %slice3A : vector<2048x256xf32> to vector<2048x256xbf16>
    %slice3A_5 = vector.extract_strided_slice %get3A_4 {offsets = [0, 0], sizes = [256, 512], strides = [1, 1]} : vector<512x512xf32> to vector<256x512xf32>
    %convert_element_type3A_6 = arith.truncf %slice3A_5 : vector<256x512xf32> to vector<256x512xbf16>
    %dot_general3A = arith.constant dense<0.000000e+00> : vector<2048x512xf32>
    %dot_general3A_7 = tpu.matmul %convert_element_type3A, %convert_element_type3A_6, %dot_general3A {dimension_numbers = #tpu.dot_dimension_numbers<[1], [0], [0], [1], [0, 0, 1, 1], [], []>, transpose_lhs_hint = false} : vector<2048x256xbf16>, vector<256x512xbf16>, vector<2048x512xf32> -> vector<2048x512xf32>
    %slice3A_8 = vector.extract_strided_slice %get3A_1 {offsets = [0, 256], sizes = [2048, 256], strides = [1, 1]} : vector<2048x512xf32> to vector<2048x256xf32>
    %convert_element_type3A_9 = arith.truncf %slice3A_8 : vector<2048x256xf32> to vector<2048x256xbf16>
    %slice3A_10 = vector.extract_strided_slice %get3A_4 {offsets = [256, 0], sizes = [256, 512], strides = [1, 1]} : vector<512x512xf32> to vector<256x512xf32>
    %convert_element_type3A_11 = arith.truncf %slice3A_10 : vector<256x512xf32> to vector<256x512xbf16>
    %dot_general3A_12 = arith.constant dense<0.000000e+00> : vector<2048x512xf32>
    %dot_general3A_13 = tpu.matmul %convert_element_type3A_9, %convert_element_type3A_11, %dot_general3A_12 {dimension_numbers = #tpu.dot_dimension_numbers<[1], [0], [0], [1], [0, 0, 1, 1], [], []>, transpose_lhs_hint = false} : vector<2048x256xbf16>, vector<256x512xbf16>, vector<2048x512xf32> -> vector<2048x512xf32>
    %add3A = arith.addf %dot_general3A_7, %dot_general3A_13 : vector<2048x512xf32>
    %get3A_14 = arith.constant 0 : index
    %get3A_15 = arith.constant 0 : index
    %get3A_16 = vector.load %arg3[%get3A_14, %get3A_15] : memref<1x512xf32, #tpu.memory_space<vmem>>, vector<1x512xf32>
    %add3A_17 = vector.broadcast %get3A_16 : vector<1x512xf32> to vector<2048x512xf32>
    %add3A_18 = arith.addf %add3A, %add3A_17 : vector<2048x512xf32>
    %max3A = arith.constant 0.000000e+00 : f32
    %max3A_19 = vector.broadcast %max3A : f32 to vector<2048x512xf32>
    %max3A_20 = arith.maximumf %add3A_18, %max3A_19 : vector<2048x512xf32>
    %get3A_21 = arith.constant 0 : index
    %get3A_22 = arith.constant 0 : index
    %get3A_23 = vector.load %arg4[%get3A_21, %get3A_22] : memref<512x256xf32, #tpu.memory_space<vmem>>, vector<512x256xf32>
    %slice3A_24 = vector.extract_strided_slice %max3A_20 {offsets = [0, 0], sizes = [2048, 256], strides = [1, 1]} : vector<2048x512xf32> to vector<2048x256xf32>
    %convert_element_type3A_25 = arith.truncf %slice3A_24 : vector<2048x256xf32> to vector<2048x256xbf16>
    %slice3A_26 = vector.extract_strided_slice %get3A_23 {offsets = [0, 0], sizes = [256, 256], strides = [1, 1]} : vector<512x256xf32> to vector<256x256xf32>
    %convert_element_type3A_27 = arith.truncf %slice3A_26 : vector<256x256xf32> to vector<256x256xbf16>
    %dot_general3A_28 = arith.constant dense<0.000000e+00> : vector<2048x256xf32>
    %dot_general3A_29 = tpu.matmul %convert_element_type3A_25, %convert_element_type3A_27, %dot_general3A_28 {dimension_numbers = #tpu.dot_dimension_numbers<[1], [0], [0], [1], [0, 0, 1, 1], [], []>, transpose_lhs_hint = false} : vector<2048x256xbf16>, vector<256x256xbf16>, vector<2048x256xf32> -> vector<2048x256xf32>
    %slice3A_30 = vector.extract_strided_slice %max3A_20 {offsets = [0, 256], sizes = [2048, 256], strides = [1, 1]} : vector<2048x512xf32> to vector<2048x256xf32>
    %convert_element_type3A_31 = arith.truncf %slice3A_30 : vector<2048x256xf32> to vector<2048x256xbf16>
    %slice3A_32 = vector.extract_strided_slice %get3A_23 {offsets = [256, 0], sizes = [256, 256], strides = [1, 1]} : vector<512x256xf32> to vector<256x256xf32>
    %convert_element_type3A_33 = arith.truncf %slice3A_32 : vector<256x256xf32> to vector<256x256xbf16>
    %dot_general3A_34 = arith.constant dense<0.000000e+00> : vector<2048x256xf32>
    %dot_general3A_35 = tpu.matmul %convert_element_type3A_31, %convert_element_type3A_33, %dot_general3A_34 {dimension_numbers = #tpu.dot_dimension_numbers<[1], [0], [0], [1], [0, 0, 1, 1], [], []>, transpose_lhs_hint = false} : vector<2048x256xbf16>, vector<256x256xbf16>, vector<2048x256xf32> -> vector<2048x256xf32>
    %add3A_36 = arith.addf %dot_general3A_29, %dot_general3A_35 : vector<2048x256xf32>
    %get3A_37 = arith.constant 0 : index
    %get3A_38 = arith.constant 0 : index
    %get3A_39 = vector.load %arg5[%get3A_37, %get3A_38] : memref<1x256xf32, #tpu.memory_space<vmem>>, vector<1x256xf32>
    %add3A_40 = vector.broadcast %get3A_39 : vector<1x256xf32> to vector<2048x256xf32>
    %add3A_41 = arith.addf %add3A_36, %add3A_40 : vector<2048x256xf32>
    %max3A_42 = arith.constant 0.000000e+00 : f32
    %max3A_43 = vector.broadcast %max3A_42 : f32 to vector<2048x256xf32>
    %max3A_44 = arith.maximumf %add3A_41, %max3A_43 : vector<2048x256xf32>
    %get3A_45 = arith.constant 0 : index
    %get3A_46 = arith.constant 0 : index
    %get3A_47 = vector.load %arg6[%get3A_45, %get3A_46] : memref<256x32xf32, #tpu.memory_space<vmem>>, vector<256x32xf32>
    %convert_element_type3A_48 = arith.truncf %max3A_44 : vector<2048x256xf32> to vector<2048x256xbf16>
    %convert_element_type3A_49 = arith.truncf %get3A_47 : vector<256x32xf32> to vector<256x32xbf16>
    %dot_general3A_50 = arith.constant dense<0.000000e+00> : vector<2048x32xf32>
    %dot_general3A_51 = tpu.matmul %convert_element_type3A_48, %convert_element_type3A_49, %dot_general3A_50 {dimension_numbers = #tpu.dot_dimension_numbers<[1], [0], [0], [1], [0, 0, 1, 1], [], []>, transpose_lhs_hint = false} : vector<2048x256xbf16>, vector<256x32xbf16>, vector<2048x32xf32> -> vector<2048x32xf32>
    %get3A_52 = arith.constant 0 : index
    %get3A_53 = arith.constant 0 : index
    %get3A_54 = vector.load %arg7[%get3A_52, %get3A_53] : memref<1x32xf32, #tpu.memory_space<vmem>>, vector<1x32xf32>
    %add3A_55 = vector.broadcast %get3A_54 : vector<1x32xf32> to vector<2048x32xf32>
    %add3A_56 = arith.addf %dot_general3A_51, %add3A_55 : vector<2048x32xf32>
    %swap3A = arith.constant 0 : index
    %swap3A_57 = arith.constant 0 : index
    %swap3A_58 = vector.load %arg8[%swap3A, %swap3A_57] : memref<2048x32xf32, #tpu.memory_space<vmem>>, vector<2048x32xf32>
    tpu.vector_store %arg8[%swap3A, %swap3A_57], %add3A_56 {strides = array<i32>} : memref<2048x32xf32, #tpu.memory_space<vmem>>, vector<2048x32xf32>,
    return
  }
  func.func @transform_0(%arg0: i32) -> (i32, i32) {
    %c0_i32 = arith.constant 0 : i32
    %c0_i32_0 = arith.constant 0 : i32
    return %arg0, %c0_i32 : i32, i32
  }
  func.func @transform_1(%arg0: i32) -> (i32, i32) {
    %c0_i32 = arith.constant 0 : i32
    %c0_i32_0 = arith.constant 0 : i32
    %c0_i32_1 = arith.constant 0 : i32
    return %c0_i32, %c0_i32_0 : i32, i32
  }
  func.func @transform_2(%arg0: i32) -> (i32, i32) {
    %c0_i32 = arith.constant 0 : i32
    %c0_i32_0 = arith.constant 0 : i32
    %c0_i32_1 = arith.constant 0 : i32
    return %c0_i32, %c0_i32_0 : i32, i32
  }
  func.func @transform_3(%arg0: i32) -> (i32, i32) {
    %c0_i32 = arith.constant 0 : i32
    %c0_i32_0 = arith.constant 0 : i32
    %c0_i32_1 = arith.constant 0 : i32
    return %c0_i32, %c0_i32_0 : i32, i32
  }
  func.func @transform_4(%arg0: i32) -> (i32, i32) {
    %c0_i32 = arith.constant 0 : i32
    %c0_i32_0 = arith.constant 0 : i32
    %c0_i32_1 = arith.constant 0 : i32
    return %c0_i32, %c0_i32_0 : i32, i32
  }
  func.func @transform_5(%arg0: i32) -> (i32, i32) {
    %c0_i32 = arith.constant 0 : i32
    %c0_i32_0 = arith.constant 0 : i32
    %c0_i32_1 = arith.constant 0 : i32
    return %c0_i32, %c0_i32_0 : i32, i32
  }
  func.func @transform_6(%arg0: i32) -> (i32, i32) {
    %c0_i32 = arith.constant 0 : i32
    %c0_i32_0 = arith.constant 0 : i32
    %c0_i32_1 = arith.constant 0 : i32
    return %c0_i32, %c0_i32_0 : i32, i32
  }
  func.func @transform_7(%arg0: i32) -> (i32, i32) {
    %c0_i32 = arith.constant 0 : i32
    %c0_i32_0 = arith.constant 0 : i32
    return %arg0, %c0_i32 : i32, i32
  }
}

module attributes {stable_mosaic.version = 14 : i64} {
  func.func @_quant_body(%arg0: i32, %arg1: memref<512x32xf32, #tpu.memory_space<vmem>>, %arg2: memref<512x1xf32, #tpu.memory_space<vmem>>, %arg3: memref<1x8192xf32, #tpu.memory_space<vmem>>, %arg4: memref<32x8192xf32, #tpu.memory_space<vmem>>, %arg5: memref<512x1xi32, #tpu.memory_space<vmem>>) attributes {dimension_semantics = [#tpu.dimension_semantics<arbitrary>], iteration_bounds = array<i64: 32>, scalar_prefetch = 0 : i64, scratch_operands = 0 : i64, tpu.core_type = #tpu.core_type<tc>, window_params = [{transform_indices = @transform_0, window_bounds = array<i64: 512, 32>}, {transform_indices = @transform_1, window_bounds = array<i64: 512, 1>}, {pipeline_mode = #tpu.pipeline_mode<synchronous>, transform_indices = @transform_2, window_bounds = array<i64: 1, 8192>}, {pipeline_mode = #tpu.pipeline_mode<synchronous>, transform_indices = @transform_3, window_bounds = array<i64: 32, 8192>}, {transform_indices = @transform_4, window_bounds = array<i64: 512, 1>}]} {
    %get3A = arith.constant 0 : index
    %get3A_0 = arith.constant 0 : index
    %get3A_1 = vector.load %arg1[%get3A, %get3A_0] : memref<512x32xf32, #tpu.memory_space<vmem>>, vector<512x32xf32>
    %get3A_2 = arith.constant 0 : index
    %get3A_3 = arith.constant 0 : index
    %get3A_4 = vector.load %arg2[%get3A_2, %get3A_3] : memref<512x1xf32, #tpu.memory_space<vmem>>, vector<512x1xf32>
    %broadcast_in_dim3A = arith.constant 0x7F800000 : f32
    %broadcast_in_dim3A_5 = vector.broadcast %broadcast_in_dim3A : f32 to vector<512x1xf32>
    %broadcast_in_dim3A_6 = arith.constant 0 : i32
    %broadcast_in_dim3A_7 = vector.broadcast %broadcast_in_dim3A_6 : i32 to vector<512x1xi32>
    %get3A_8 = arith.constant 0 : index
    %get3A_9 = arith.constant 0 : index
    %get3A_10 = vector.load %arg4[%get3A_8, %get3A_9] : memref<32x8192xf32, #tpu.memory_space<vmem>>, vector<32x4096xf32>
    %dot_general3A = arith.constant dense<0.000000e+00> : vector<512x4096xf32>
    %dot_general3A_11 = tpu.matmul %get3A_1, %get3A_10, %dot_general3A {dimension_numbers = #tpu.dot_dimension_numbers<[1], [0], [0], [1], [0, 0, 1, 1], [], []>, transpose_lhs_hint = false} : vector<512x32xf32>, vector<32x4096xf32>, vector<512x4096xf32> -> vector<512x4096xf32>
    %get3A_12 = arith.constant 0 : index
    %get3A_13 = arith.constant 0 : index
    %get3A_14 = vector.load %arg3[%get3A_12, %get3A_13] : memref<1x8192xf32, #tpu.memory_space<vmem>>, vector<1x4096xf32>
    %add3A = vector.broadcast %get3A_4 : vector<512x1xf32> to vector<512x4096xf32>
    %add3A_15 = vector.broadcast %get3A_14 : vector<1x4096xf32> to vector<512x4096xf32>
    %add3A_16 = arith.addf %add3A, %add3A_15 : vector<512x4096xf32>
    %mul3A = arith.constant 2.000000e+00 : f32
    %mul3A_17 = vector.broadcast %mul3A : f32 to vector<512x4096xf32>
    %mul3A_18 = arith.mulf %mul3A_17, %dot_general3A_11 : vector<512x4096xf32>
    %sub3A = arith.subf %add3A_16, %mul3A_18 : vector<512x4096xf32>
    %reduce_min3A = arith.constant dense<0x7F800000> : vector<512xf32>
    %reduce_min3A_19 = vector.multi_reduction <minimumf>, %sub3A, %reduce_min3A [1] : vector<512x4096xf32> to vector<512xf32>
    %broadcast_in_dim3A_20 = vector.shape_cast %reduce_min3A_19 : vector<512xf32> to vector<512x1xf32>
    %iota3A = tpu.iota {dimensions = array<i32: 1>} : vector<512x4096xi32>
    %add3A_21 = arith.constant 0 : i32
    %add3A_22 = vector.broadcast %add3A_21 : i32 to vector<512x4096xi32>
    %add3A_23 = arith.addi %iota3A, %add3A_22 : vector<512x4096xi32>
    %eq3A = vector.broadcast %broadcast_in_dim3A_20 : vector<512x1xf32> to vector<512x4096xf32>
    %eq3A_24 = arith.cmpf oeq, %sub3A, %eq3A : vector<512x4096xf32>
    %jit3A = arith.constant 1073741824 : i32
    %broadcast_in_dim3A_25 = vector.broadcast %jit3A : i32 to vector<512x4096xi32>
    %select_n3A = arith.select %eq3A_24, %add3A_23, %broadcast_in_dim3A_25 : vector<512x4096xi1>, vector<512x4096xi32>
    %reduce_min3A_26 = arith.constant dense<2147483647> : vector<512xi32>
    %reduce_min3A_27 = vector.multi_reduction <minsi>, %select_n3A, %reduce_min3A_26 [1] : vector<512x4096xi32> to vector<512xi32>
    %broadcast_in_dim3A_28 = vector.shape_cast %reduce_min3A_27 : vector<512xi32> to vector<512x1xi32>
    %lt3A = arith.cmpf olt, %broadcast_in_dim3A_20, %broadcast_in_dim3A_5 : vector<512x1xf32>
    %select_n3A_29 = arith.select %lt3A, %broadcast_in_dim3A_28, %broadcast_in_dim3A_7 : vector<512x1xi1>, vector<512x1xi32>
    %convert_element_type3A = arith.truncf %broadcast_in_dim3A_20 : vector<512x1xf32> to vector<512x1xbf16>
    %convert_element_type3A_30 = arith.extf %convert_element_type3A : vector<512x1xbf16> to vector<512x1xf32>
    %select_n3A_31 = arith.select %lt3A, %convert_element_type3A_30, %broadcast_in_dim3A_5 : vector<512x1xi1>, vector<512x1xf32>
    %get3A_32 = arith.constant 0 : index
    %get3A_33 = arith.constant 4096 : index
    %get3A_34 = vector.load %arg4[%get3A_32, %get3A_33] : memref<32x8192xf32, #tpu.memory_space<vmem>>, vector<32x4096xf32>
    %dot_general3A_35 = arith.constant dense<0.000000e+00> : vector<512x4096xf32>
    %dot_general3A_36 = tpu.matmul %get3A_1, %get3A_34, %dot_general3A_35 {dimension_numbers = #tpu.dot_dimension_numbers<[1], [0], [0], [1], [0, 0, 1, 1], [], []>, transpose_lhs_hint = false} : vector<512x32xf32>, vector<32x4096xf32>, vector<512x4096xf32> -> vector<512x4096xf32>
    %get3A_37 = arith.constant 0 : index
    %get3A_38 = arith.constant 4096 : index
    %get3A_39 = vector.load %arg3[%get3A_37, %get3A_38] : memref<1x8192xf32, #tpu.memory_space<vmem>>, vector<1x4096xf32>
    %add3A_40 = vector.broadcast %get3A_4 : vector<512x1xf32> to vector<512x4096xf32>
    %add3A_41 = vector.broadcast %get3A_39 : vector<1x4096xf32> to vector<512x4096xf32>
    %add3A_42 = arith.addf %add3A_40, %add3A_41 : vector<512x4096xf32>
    %mul3A_43 = arith.constant 2.000000e+00 : f32
    %mul3A_44 = vector.broadcast %mul3A_43 : f32 to vector<512x4096xf32>
    %mul3A_45 = arith.mulf %mul3A_44, %dot_general3A_36 : vector<512x4096xf32>
    %sub3A_46 = arith.subf %add3A_42, %mul3A_45 : vector<512x4096xf32>
    %reduce_min3A_47 = arith.constant dense<0x7F800000> : vector<512xf32>
    %reduce_min3A_48 = vector.multi_reduction <minimumf>, %sub3A_46, %reduce_min3A_47 [1] : vector<512x4096xf32> to vector<512xf32>
    %broadcast_in_dim3A_49 = vector.shape_cast %reduce_min3A_48 : vector<512xf32> to vector<512x1xf32>
    %iota3A_50 = tpu.iota {dimensions = array<i32: 1>} : vector<512x4096xi32>
    %add3A_51 = arith.constant 4096 : i32
    %add3A_52 = vector.broadcast %add3A_51 : i32 to vector<512x4096xi32>
    %add3A_53 = arith.addi %iota3A_50, %add3A_52 : vector<512x4096xi32>
    %eq3A_54 = vector.broadcast %broadcast_in_dim3A_49 : vector<512x1xf32> to vector<512x4096xf32>
    %eq3A_55 = arith.cmpf oeq, %sub3A_46, %eq3A_54 : vector<512x4096xf32>
    %jit3A_56 = arith.constant 1073741824 : i32
    %broadcast_in_dim3A_57 = vector.broadcast %jit3A_56 : i32 to vector<512x4096xi32>
    %select_n3A_58 = arith.select %eq3A_55, %add3A_53, %broadcast_in_dim3A_57 : vector<512x4096xi1>, vector<512x4096xi32>
    %reduce_min3A_59 = arith.constant dense<2147483647> : vector<512xi32>
    %reduce_min3A_60 = vector.multi_reduction <minsi>, %select_n3A_58, %reduce_min3A_59 [1] : vector<512x4096xi32> to vector<512xi32>
    %broadcast_in_dim3A_61 = vector.shape_cast %reduce_min3A_60 : vector<512xi32> to vector<512x1xi32>
    %lt3A_62 = arith.cmpf olt, %broadcast_in_dim3A_49, %select_n3A_31 : vector<512x1xf32>
    %select_n3A_63 = arith.select %lt3A_62, %broadcast_in_dim3A_61, %select_n3A_29 : vector<512x1xi1>, vector<512x1xi32>
    %swap3A = arith.constant 0 : index
    %swap3A_64 = arith.constant 0 : index
    %swap3A_65 = vector.load %arg5[%swap3A, %swap3A_64] : memref<512x1xi32, #tpu.memory_space<vmem>>, vector<512x1xi32>
    tpu.vector_store %arg5[%swap3A, %swap3A_64], %select_n3A_63 {strides = array<i32>} : memref<512x1xi32, #tpu.memory_space<vmem>>, vector<512x1xi32>,
    return
  }
  func.func @transform_0(%arg0: i32) -> (i32, i32) {
    %c0_i32 = arith.constant 0 : i32
    %c0_i32_0 = arith.constant 0 : i32
    return %arg0, %c0_i32 : i32, i32
  }
  func.func @transform_1(%arg0: i32) -> (i32, i32) {
    %c0_i32 = arith.constant 0 : i32
    %c0_i32_0 = arith.constant 0 : i32
    return %arg0, %c0_i32 : i32, i32
  }
  func.func @transform_2(%arg0: i32) -> (i32, i32) {
    %c0_i32 = arith.constant 0 : i32
    %c0_i32_0 = arith.constant 0 : i32
    %c0_i32_1 = arith.constant 0 : i32
    return %c0_i32, %c0_i32_0 : i32, i32
  }
  func.func @transform_3(%arg0: i32) -> (i32, i32) {
    %c0_i32 = arith.constant 0 : i32
    %c0_i32_0 = arith.constant 0 : i32
    %c0_i32_1 = arith.constant 0 : i32
    return %c0_i32, %c0_i32_0 : i32, i32
  }
  func.func @transform_4(%arg0: i32) -> (i32, i32) {
    %c0_i32 = arith.constant 0 : i32
    %c0_i32_0 = arith.constant 0 : i32
    return %arg0, %c0_i32 : i32, i32
  }
}

module attributes {stable_mosaic.version = 14 : i64} {
  func.func @_dec_body(%arg0: i32, %arg1: memref<2048x32xf32, #tpu.memory_space<vmem>>, %arg2: memref<2048x32xf32, #tpu.memory_space<vmem>>, %arg3: memref<1x8192xf32, #tpu.memory_space<vmem>>, %arg4: memref<32x256xf32, #tpu.memory_space<vmem>>, %arg5: memref<1x256xf32, #tpu.memory_space<vmem>>, %arg6: memref<256x512xf32, #tpu.memory_space<vmem>>, %arg7: memref<1x512xf32, #tpu.memory_space<vmem>>, %arg8: memref<512x512xf32, #tpu.memory_space<vmem>>, %arg9: memref<1x512xf32, #tpu.memory_space<vmem>>, %arg10: memref<2048x512xf32, #tpu.memory_space<vmem>>, %arg11: memref<1x1xf32, #tpu.memory_space<vmem>>, %arg12: memref<1x1xf32, #tpu.memory_space<vmem>>) attributes {dimension_semantics = [#tpu.dimension_semantics<arbitrary>], iteration_bounds = array<i64: 8>, scalar_prefetch = 0 : i64, scratch_operands = 0 : i64, tpu.core_type = #tpu.core_type<tc>, window_params = [{transform_indices = @transform_0, window_bounds = array<i64: 2048, 32>}, {transform_indices = @transform_1, window_bounds = array<i64: 2048, 32>}, {pipeline_mode = #tpu.pipeline_mode<synchronous>, transform_indices = @transform_2, window_bounds = array<i64: 1, 8192>}, {pipeline_mode = #tpu.pipeline_mode<synchronous>, transform_indices = @transform_3, window_bounds = array<i64: 32, 256>}, {pipeline_mode = #tpu.pipeline_mode<synchronous>, transform_indices = @transform_4, window_bounds = array<i64: 1, 256>}, {pipeline_mode = #tpu.pipeline_mode<synchronous>, transform_indices = @transform_5, window_bounds = array<i64: 256, 512>}, {pipeline_mode = #tpu.pipeline_mode<synchronous>, transform_indices = @transform_6, window_bounds = array<i64: 1, 512>}, {pipeline_mode = #tpu.pipeline_mode<synchronous>, transform_indices = @transform_7, window_bounds = array<i64: 512, 512>}, {pipeline_mode = #tpu.pipeline_mode<synchronous>, transform_indices = @transform_8, window_bounds = array<i64: 1, 512>}, {transform_indices = @transform_9, window_bounds = array<i64: 2048, 512>}, {pipeline_mode = #tpu.pipeline_mode<synchronous>, transform_indices = @transform_10, window_bounds = array<i64: 1, 1>}, {pipeline_mode = #tpu.pipeline_mode<synchronous>, transform_indices = @transform_11, window_bounds = array<i64: 1, 1>}]} {
    %get3A = arith.constant 0 : index
    %get3A_0 = arith.constant 0 : index
    %get3A_1 = vector.load %arg1[%get3A, %get3A_0] : memref<2048x32xf32, #tpu.memory_space<vmem>>, vector<2048x32xf32>
    %get3A_2 = arith.constant 0 : index
    %get3A_3 = arith.constant 0 : index
    %get3A_4 = vector.load %arg4[%get3A_2, %get3A_3] : memref<32x256xf32, #tpu.memory_space<vmem>>, vector<32x256xf32>
    %convert_element_type3A = arith.truncf %get3A_1 : vector<2048x32xf32> to vector<2048x32xbf16>
    %convert_element_type3A_5 = arith.truncf %get3A_4 : vector<32x256xf32> to vector<32x256xbf16>
    %dot_general3A = arith.constant dense<0.000000e+00> : vector<2048x256xf32>
    %dot_general3A_6 = tpu.matmul %convert_element_type3A, %convert_element_type3A_5, %dot_general3A {dimension_numbers = #tpu.dot_dimension_numbers<[1], [0], [0], [1], [0, 0, 1, 1], [], []>, transpose_lhs_hint = false} : vector<2048x32xbf16>, vector<32x256xbf16>, vector<2048x256xf32> -> vector<2048x256xf32>
    %get3A_7 = arith.constant 0 : index
    %get3A_8 = arith.constant 0 : index
    %get3A_9 = vector.load %arg5[%get3A_7, %get3A_8] : memref<1x256xf32, #tpu.memory_space<vmem>>, vector<1x256xf32>
    %add3A = vector.broadcast %get3A_9 : vector<1x256xf32> to vector<2048x256xf32>
    %add3A_10 = arith.addf %dot_general3A_6, %add3A : vector<2048x256xf32>
    %max3A = arith.constant 0.000000e+00 : f32
    %max3A_11 = vector.broadcast %max3A : f32 to vector<2048x256xf32>
    %max3A_12 = arith.maximumf %add3A_10, %max3A_11 : vector<2048x256xf32>
    %get3A_13 = arith.constant 0 : index
    %get3A_14 = arith.constant 0 : index
    %get3A_15 = vector.load %arg6[%get3A_13, %get3A_14] : memref<256x512xf32, #tpu.memory_space<vmem>>, vector<256x512xf32>
    %convert_element_type3A_16 = arith.truncf %max3A_12 : vector<2048x256xf32> to vector<2048x256xbf16>
    %convert_element_type3A_17 = arith.truncf %get3A_15 : vector<256x512xf32> to vector<256x512xbf16>
    %dot_general3A_18 = arith.constant dense<0.000000e+00> : vector<2048x512xf32>
    %dot_general3A_19 = tpu.matmul %convert_element_type3A_16, %convert_element_type3A_17, %dot_general3A_18 {dimension_numbers = #tpu.dot_dimension_numbers<[1], [0], [0], [1], [0, 0, 1, 1], [], []>, transpose_lhs_hint = false} : vector<2048x256xbf16>, vector<256x512xbf16>, vector<2048x512xf32> -> vector<2048x512xf32>
    %get3A_20 = arith.constant 0 : index
    %get3A_21 = arith.constant 0 : index
    %get3A_22 = vector.load %arg7[%get3A_20, %get3A_21] : memref<1x512xf32, #tpu.memory_space<vmem>>, vector<1x512xf32>
    %add3A_23 = vector.broadcast %get3A_22 : vector<1x512xf32> to vector<2048x512xf32>
    %add3A_24 = arith.addf %dot_general3A_19, %add3A_23 : vector<2048x512xf32>
    %max3A_25 = arith.constant 0.000000e+00 : f32
    %max3A_26 = vector.broadcast %max3A_25 : f32 to vector<2048x512xf32>
    %max3A_27 = arith.maximumf %add3A_24, %max3A_26 : vector<2048x512xf32>
    %get3A_28 = arith.constant 0 : index
    %get3A_29 = arith.constant 0 : index
    %get3A_30 = vector.load %arg8[%get3A_28, %get3A_29] : memref<512x512xf32, #tpu.memory_space<vmem>>, vector<512x512xf32>
    %slice3A = vector.extract_strided_slice %max3A_27 {offsets = [0, 0], sizes = [2048, 256], strides = [1, 1]} : vector<2048x512xf32> to vector<2048x256xf32>
    %convert_element_type3A_31 = arith.truncf %slice3A : vector<2048x256xf32> to vector<2048x256xbf16>
    %slice3A_32 = vector.extract_strided_slice %get3A_30 {offsets = [0, 0], sizes = [256, 512], strides = [1, 1]} : vector<512x512xf32> to vector<256x512xf32>
    %convert_element_type3A_33 = arith.truncf %slice3A_32 : vector<256x512xf32> to vector<256x512xbf16>
    %dot_general3A_34 = arith.constant dense<0.000000e+00> : vector<2048x512xf32>
    %dot_general3A_35 = tpu.matmul %convert_element_type3A_31, %convert_element_type3A_33, %dot_general3A_34 {dimension_numbers = #tpu.dot_dimension_numbers<[1], [0], [0], [1], [0, 0, 1, 1], [], []>, transpose_lhs_hint = false} : vector<2048x256xbf16>, vector<256x512xbf16>, vector<2048x512xf32> -> vector<2048x512xf32>
    %slice3A_36 = vector.extract_strided_slice %max3A_27 {offsets = [0, 256], sizes = [2048, 256], strides = [1, 1]} : vector<2048x512xf32> to vector<2048x256xf32>
    %convert_element_type3A_37 = arith.truncf %slice3A_36 : vector<2048x256xf32> to vector<2048x256xbf16>
    %slice3A_38 = vector.extract_strided_slice %get3A_30 {offsets = [256, 0], sizes = [256, 512], strides = [1, 1]} : vector<512x512xf32> to vector<256x512xf32>
    %convert_element_type3A_39 = arith.truncf %slice3A_38 : vector<256x512xf32> to vector<256x512xbf16>
    %dot_general3A_40 = arith.constant dense<0.000000e+00> : vector<2048x512xf32>
    %dot_general3A_41 = tpu.matmul %convert_element_type3A_37, %convert_element_type3A_39, %dot_general3A_40 {dimension_numbers = #tpu.dot_dimension_numbers<[1], [0], [0], [1], [0, 0, 1, 1], [], []>, transpose_lhs_hint = false} : vector<2048x256xbf16>, vector<256x512xbf16>, vector<2048x512xf32> -> vector<2048x512xf32>
    %add3A_42 = arith.addf %dot_general3A_35, %dot_general3A_41 : vector<2048x512xf32>
    %get3A_43 = arith.constant 0 : index
    %get3A_44 = arith.constant 0 : index
    %get3A_45 = vector.load %arg9[%get3A_43, %get3A_44] : memref<1x512xf32, #tpu.memory_space<vmem>>, vector<1x512xf32>
    %add3A_46 = vector.broadcast %get3A_45 : vector<1x512xf32> to vector<2048x512xf32>
    %add3A_47 = arith.addf %add3A_42, %add3A_46 : vector<2048x512xf32>
    %swap3A = arith.constant 0 : index
    %swap3A_48 = arith.constant 0 : index
    %swap3A_49 = vector.load %arg10[%swap3A, %swap3A_48] : memref<2048x512xf32, #tpu.memory_space<vmem>>, vector<2048x512xf32>
    tpu.vector_store %arg10[%swap3A, %swap3A_48], %add3A_47 {strides = array<i32>} : memref<2048x512xf32, #tpu.memory_space<vmem>>, vector<2048x512xf32>,
    %get3A_50 = arith.constant 0 : index
    %get3A_51 = arith.constant 0 : index
    %get3A_52 = vector.load %arg2[%get3A_50, %get3A_51] : memref<2048x32xf32, #tpu.memory_space<vmem>>, vector<2048x32xf32>
    %sub3A = arith.subf %get3A_1, %get3A_52 : vector<2048x32xf32>
    %integer_pow3A = arith.mulf %sub3A, %sub3A : vector<2048x32xf32>
    %reduce_sum3A = vector.shape_cast %integer_pow3A : vector<2048x32xf32> to vector<1x2048x32xf32>
    %reduce_sum3A_53 = arith.constant dense<0.000000e+00> : vector<1xf32>
    %reduce_sum3A_54 = vector.multi_reduction <add>, %reduce_sum3A, %reduce_sum3A_53 [1, 2] : vector<1x2048x32xf32> to vector<1xf32>
    %reduce_sum3A_55 = vector.shape_cast %reduce_sum3A_54 : vector<1xf32> to vector<1x1x1xf32>
    %reduce_sum3A_56 = vector.extract %reduce_sum3A_55[0, 0, 0] : f32 from vector<1x1x1xf32>
    %broadcast_in_dim3A = vector.broadcast %reduce_sum3A_56 : f32 to vector<1x1xf32>
    %eq3A = arith.constant 0 : i32
    %eq3A_57 = arith.cmpi eq, %arg0, %eq3A : i32
    %convert_element_type3A_58 = arith.extui %eq3A_57 : i1 to i32
    %cond3A = arith.constant 0 : i32
    %cond3A_59 = arith.cmpi ne, %convert_element_type3A_58, %cond3A : i32
    scf.if %cond3A_59 {
      %broadcast_in_dim3A_67 = arith.constant 0.000000e+00 : f32
      %broadcast_in_dim3A_68 = vector.broadcast %broadcast_in_dim3A_67 : f32 to vector<1x1xf32>
      %swap3A_69 = arith.constant 0 : index
      %swap3A_70 = arith.constant 0 : index
      %swap3A_71 = vector.load %arg11[%swap3A_69, %swap3A_70] : memref<1x1xf32, #tpu.memory_space<vmem>>, vector<1x1xf32>
      tpu.vector_store %arg11[%swap3A_69, %swap3A_70], %broadcast_in_dim3A_68 {strides = array<i32>} : memref<1x1xf32, #tpu.memory_space<vmem>>, vector<1x1xf32>,
      %get3A_72 = arith.constant 0 : index
      %get3A_73 = arith.constant 0 : index
      %get3A_74 = vector.load %arg3[%get3A_72, %get3A_73] : memref<1x8192xf32, #tpu.memory_space<vmem>>, vector<1x8192xf32>
      %reduce_sum3A_75 = arith.constant dense<0.000000e+00> : vector<1xf32>
      %reduce_sum3A_76 = vector.multi_reduction <add>, %get3A_74, %reduce_sum3A_75 [1] : vector<1x8192xf32> to vector<1xf32>
      %broadcast_in_dim3A_77 = vector.shape_cast %reduce_sum3A_76 : vector<1xf32> to vector<1x1xf32>
      %add3A_78 = arith.constant 9.99999993E-9 : f32
      %add3A_79 = vector.broadcast %add3A_78 : f32 to vector<1x1xf32>
      %add3A_80 = arith.addf %broadcast_in_dim3A_77, %add3A_79 : vector<1x1xf32>
      %div3A = vector.broadcast %add3A_80 : vector<1x1xf32> to vector<1x8192xf32>
      %div3A_81 = arith.divf %get3A_74, %div3A : vector<1x8192xf32>
      %gt3A = arith.constant 0.000000e+00 : f32
      %gt3A_82 = vector.broadcast %gt3A : f32 to vector<1x8192xf32>
      %gt3A_83 = arith.cmpf ogt, %div3A_81, %gt3A_82 : vector<1x8192xf32>
      %convert_element_type3A_84 = arith.extui %gt3A_83 : vector<1x8192xi1> to vector<1x8192xi32>
      %convert_element_type3A_85 = arith.sitofp %convert_element_type3A_84 : vector<1x8192xi32> to vector<1x8192xf32>
      %reduce_sum3A_86 = arith.constant dense<0.000000e+00> : vector<1xf32>
      %reduce_sum3A_87 = vector.multi_reduction <add>, %convert_element_type3A_85, %reduce_sum3A_86 [1] : vector<1x8192xf32> to vector<1xf32>
      %broadcast_in_dim3A_88 = vector.shape_cast %reduce_sum3A_87 : vector<1xf32> to vector<1x1xf32>
      %jit3A = arith.constant 1.000000e+00 : f32
      %broadcast_in_dim3A_89 = vector.broadcast %jit3A : f32 to vector<1x8192xf32>
      %select_n3A = arith.select %gt3A_83, %div3A_81, %broadcast_in_dim3A_89 : vector<1x8192xi1>, vector<1x8192xf32>
      %mul3A = vector.broadcast %broadcast_in_dim3A_88 : vector<1x1xf32> to vector<1x8192xf32>
      %mul3A_90 = arith.mulf %select_n3A, %mul3A : vector<1x8192xf32>
      %log3A = math.log %mul3A_90 : vector<1x8192xf32>
      %mul3A_91 = arith.mulf %div3A_81, %log3A : vector<1x8192xf32>
      %jit3A_92 = arith.constant 0.000000e+00 : f32
      %broadcast_in_dim3A_93 = vector.broadcast %jit3A_92 : f32 to vector<1x8192xf32>
      %select_n3A_94 = arith.select %gt3A_83, %mul3A_91, %broadcast_in_dim3A_93 : vector<1x8192xi1>, vector<1x8192xf32>
      %reduce_sum3A_95 = arith.constant dense<0.000000e+00> : vector<1xf32>
      %reduce_sum3A_96 = vector.multi_reduction <add>, %select_n3A_94, %reduce_sum3A_95 [1] : vector<1x8192xf32> to vector<1xf32>
      %broadcast_in_dim3A_97 = vector.shape_cast %reduce_sum3A_96 : vector<1xf32> to vector<1x1xf32>
      %swap3A_98 = arith.constant 0 : index
      %swap3A_99 = arith.constant 0 : index
      %swap3A_100 = vector.load %arg12[%swap3A_98, %swap3A_99] : memref<1x1xf32, #tpu.memory_space<vmem>>, vector<1x1xf32>
      tpu.vector_store %arg12[%swap3A_98, %swap3A_99], %broadcast_in_dim3A_97 {strides = array<i32>} : memref<1x1xf32, #tpu.memory_space<vmem>>, vector<1x1xf32>,
    } else {
    }
    %get3A_60 = arith.constant 0 : index
    %get3A_61 = arith.constant 0 : index
    %get3A_62 = vector.load %arg11[%get3A_60, %get3A_61] : memref<1x1xf32, #tpu.memory_space<vmem>>, vector<1x1xf32>
    %add3A_63 = arith.addf %get3A_62, %broadcast_in_dim3A : vector<1x1xf32>
    %swap3A_64 = arith.constant 0 : index
    %swap3A_65 = arith.constant 0 : index
    %swap3A_66 = vector.load %arg11[%swap3A_64, %swap3A_65] : memref<1x1xf32, #tpu.memory_space<vmem>>, vector<1x1xf32>
    tpu.vector_store %arg11[%swap3A_64, %swap3A_65], %add3A_63 {strides = array<i32>} : memref<1x1xf32, #tpu.memory_space<vmem>>, vector<1x1xf32>,
    return
  }
  func.func @transform_0(%arg0: i32) -> (i32, i32) {
    %c0_i32 = arith.constant 0 : i32
    %c0_i32_0 = arith.constant 0 : i32
    return %arg0, %c0_i32 : i32, i32
  }
  func.func @transform_1(%arg0: i32) -> (i32, i32) {
    %c0_i32 = arith.constant 0 : i32
    %c0_i32_0 = arith.constant 0 : i32
    return %arg0, %c0_i32 : i32, i32
  }
  func.func @transform_2(%arg0: i32) -> (i32, i32) {
    %c0_i32 = arith.constant 0 : i32
    %c0_i32_0 = arith.constant 0 : i32
    %c0_i32_1 = arith.constant 0 : i32
    return %c0_i32, %c0_i32_0 : i32, i32
  }
  func.func @transform_3(%arg0: i32) -> (i32, i32) {
    %c0_i32 = arith.constant 0 : i32
    %c0_i32_0 = arith.constant 0 : i32
    %c0_i32_1 = arith.constant 0 : i32
    return %c0_i32, %c0_i32_0 : i32, i32
  }
  func.func @transform_4(%arg0: i32) -> (i32, i32) {
    %c0_i32 = arith.constant 0 : i32
    %c0_i32_0 = arith.constant 0 : i32
    %c0_i32_1 = arith.constant 0 : i32
    return %c0_i32, %c0_i32_0 : i32, i32
  }
  func.func @transform_5(%arg0: i32) -> (i32, i32) {
    %c0_i32 = arith.constant 0 : i32
    %c0_i32_0 = arith.constant 0 : i32
    %c0_i32_1 = arith.constant 0 : i32
    return %c0_i32, %c0_i32_0 : i32, i32
  }
  func.func @transform_6(%arg0: i32) -> (i32, i32) {
    %c0_i32 = arith.constant 0 : i32
    %c0_i32_0 = arith.constant 0 : i32
    %c0_i32_1 = arith.constant 0 : i32
    return %c0_i32, %c0_i32_0 : i32, i32
  }
  func.func @transform_7(%arg0: i32) -> (i32, i32) {
    %c0_i32 = arith.constant 0 : i32
    %c0_i32_0 = arith.constant 0 : i32
    %c0_i32_1 = arith.constant 0 : i32
    return %c0_i32, %c0_i32_0 : i32, i32
  }
  func.func @transform_8(%arg0: i32) -> (i32, i32) {
    %c0_i32 = arith.constant 0 : i32
    %c0_i32_0 = arith.constant 0 : i32
    %c0_i32_1 = arith.constant 0 : i32
    return %c0_i32, %c0_i32_0 : i32, i32
  }
  func.func @transform_9(%arg0: i32) -> (i32, i32) {
    %c0_i32 = arith.constant 0 : i32
    %c0_i32_0 = arith.constant 0 : i32
    return %arg0, %c0_i32 : i32, i32
  }
  func.func @transform_10(%arg0: i32) -> (i32, i32) {
    %c0_i32 = arith.constant 0 : i32
    %c0_i32_0 = arith.constant 0 : i32
    %c0_i32_1 = arith.constant 0 : i32
    return %c0_i32, %c0_i32_0 : i32, i32
  }
  func.func @transform_11(%arg0: i32) -> (i32, i32) {
    %c0_i32 = arith.constant 0 : i32
    %c0_i32_0 = arith.constant 0 : i32
    %c0_i32_1 = arith.constant 0 : i32
    return %c0_i32, %c0_i32_0 : i32, i32
  }
}

</mosaic_0001>

<sc_bundles>
// kernel: kernel.6.cloned.1.call-start
scs
__scs_entry_jumppad:
0x0: {  	(pc) =	sbr.rel $0x88, $3  }
0x1: {  	(tag) =	ssettag $0x0;
	lr =	simm.s32 $0x1  }
0x2: {  	[smem:$0x3F93] =	sst lr;
	_ =	strace $0xD0000000  }
0x3: {  	_ = 	snop  }
0x4: {  	_ = 	snop  }
0x5: {  	_ = 	snop  }
0x6: {  	_ = 	snop  }
0x7: {  	_ = 	snop  }
__scs_overlays_trampoline_lowered:
0x8: {  	[smem:$0x3FA2] =	sst s0  }
0x9: {  	[smem:$0x3FA3] =	sst s1  }
0xa: {  	[smem:$0x3FA4] =	sst s2  }
0xb: {  	[smem:$0x3FA5] =	sst s3  }
0xc: {  	[smem:$0x3FA6] =	sst s4  }
0xd: {  	[smem:$0x3FA7] =	sst s5  }
0xe: {  	[smem:$0x3FA8] =	sst s6  }
0xf: {  	[smem:$0x3FA9] =	sst s7  }
0x10: {  	[smem:$0x3FAA] =	sst s8  }
0x11: {  	[smem:$0x3FAB] =	sst s9;
	s0 =	simm.s32 @!p0 $0x0  }
0x12: {  	s1 =	sld [smem:$0x3F91];
	s0 =	simm.s32 @p0 $0x1  }
0x13: {  	[smem:$0x3FAC] =	sst s0;
	s0 =	simm.s32 @!p1 $0x0  }
0x14: {  	s2 =	sld [smem:$0x3F90];
	s0 =	simm.s32 @p1 $0x1  }
0x15: {  	[smem:$0x3FAD] =	sst s0;
	s0 =	simm.s32 @!p2 $0x0  }
0x16: {  	s3 =	sld [smem:$0x3FDB];
	s0 =	simm.s32 @p2 $0x1  }
0x17: {  	s4 =	simm.s32 $0x1BF5;
	[smem:$0x3FAF] =	sst s0  }
0x18: {  	s0 =	sld [smem:$0x3F92];
	_ =	swait.ge [sflag:s4], $0x0  }
0x19: {  	s7 =	sld [smem:$0x3F93]  }
0x1a: {  	s8 =	sadd.s32 $0xFFFFE003, lr  }
0x1b: {  	s9 =	sadd.s32 $0xFFFFFEF7, lr;
	s5 =	simm.s32 $0xFFFFFFFF;
	p2 =	slt.u32 s8, $0xFFFFF086  }
0x1c: {  	p1 =	slt.u32 s9, $0xF7A;
	s5 =	simm.s32 @!p2 $0x0  }
0x1d: {  	s5 =	simm.s32 @p1 $0x1;
	p0 =	seq.s32 s7, s2  }
0x1e: {  	s7 =	smul.u32 @!p0 $0xF7A, s2;
	p2 =	seq.s32 @!p0 s5, $0x0  }
0x1f: {  	s9 =	smul.u32 $0xF7A, s1;
	s8 =	simm.s32 @!p0 $0x1BF5;
	p2 =	por !p2, p0  }
0x20: {  	[sflag:s8] =	ssyncset.s32 @!p0 $0xFFFFF086;
	s6 =	sadd.s32 @!p0 s3, s7;
	s7 =	simm.s32 @!p0 $0x108  }
0x21: {  	s3 =	sadd.s32 s3, s9;
	s6 =	sadd.s32 @!p0 $0x88, s6;
	s7 =	simm.s32 @p2 $0x1082  }
0x22: {  	[simem:s7], [sflag:s8] =	dma.local @!p0 [hbm:s6], $0xF7A  }
0x23: {  	s9 =	sor.u32 $0xD0000000, s2;
	s6 =	simm.s32 $0x108;
	_ =	swait.ge @!p0 [sflag:s8], $0x0  }
0x24: {  	s3 =	sadd.s32 $0x88, s3;
	s6 =	simm.s32 @!p1 $0x1082;
	[sflag:s4] =	ssyncset.s32 $0xFFFFF086  }
0x25: {  	[simem:s6], [sflag:s4] =	dma.local [hbm:s3], $0xF7A  }
0x26: {  	[smem:$0x3F93] =	sst s1;
	(tag) =	ssettag s2;
	_ =	strace s9  }
0x27: {  	s1 =	sld [smem:$0x3FA3]  }
0x28: {  	s2 =	sld [smem:$0x3FA4]  }
0x29: {  	s4 =	sld [smem:$0x3FA6]  }
0x2a: {  	p0 =	seq.s32 s5, $0x0;
	s5 =	sld [smem:$0x3FA7]  }
0x2b: {  	s6 =	sld [smem:$0x3FA8]  }
0x2c: {  	s7 =	sld [smem:$0x3FA9]  }
0x2d: {  	s3 =	simm.s32 $0x108;
	s8 =	sld [smem:$0x3FAA]  }
0x2e: {  	s3 =	simm.s32 @!p0 $0x1082;
	s9 =	sld [smem:$0x3FAB]  }
0x2f: {  	lr =	sadd.s32 s0, s3;
	s0 =	sld [smem:$0x3FA2]  }
0x30: {  	s3 =	sld [smem:$0x3FA5]  }
0x31: {  	[smem:$0x3FAE] =	sst s10  }
0x32: {  	s10 =	sld [smem:$0x3FAC];
	_ =	sdelay $0x3  }
0x33: {  	p0 =	seq.s32 s10, $0x1;
	s10 =	sld [smem:$0x3FAE];
	_ =	sdelay $0x3  }
0x34: {  	[smem:$0x3FAE] =	sst s10  }
0x35: {  	s10 =	sld [smem:$0x3FAD];
	_ =	sdelay $0x3  }
0x36: {  	p1 =	seq.s32 s10, $0x1;
	s10 =	sld [smem:$0x3FAE];
	_ =	sdelay $0x3  }
0x37: {  	[smem:$0x3FAE] =	sst s10  }
0x38: {  	s10 =	sld [smem:$0x3FAF]  }
0x39: {  	_ = 	snop;
	(pc) =	sbr.ind lr, $3  }
0x3a: {  	_ = 	snop  }
0x3b: {  	_ = 	snop  }
0x3c: {  	p2 =	seq.s32 s10, $0x1;
	s10 =	sld [smem:$0x3FAE]  }
0x3d: {  	_ =	shalt  }
0x3e: {  	_ =	shalt  }
0x3f: {  	_ =	shalt  }
0x40: {  	_ =	shalt  }
0x41: {  	_ =	shalt  }
0x42: {  	_ =	shalt  }
0x43: {  	_ =	shalt  }
0x44: {  	_ =	shalt  }
0x45: {  	_ =	shalt  }
0x46: {  	_ =	shalt  }
0x47: {  	_ =	shalt  }
0x48: {  	_ =	shalt  }
0x49: {  	_ =	shalt  }
0x4a: {  	_ =	shalt  }
0x4b: {  	_ =	shalt  }
0x4c: {  	_ =	shalt  }
0x4d: {  	_ =	shalt  }
0x4e: {  	_ =	shalt  }
0x4f: {  	_ =	shalt  }
0x50: {  	_ =	shalt  }
0x51: {  	_ =	shalt  }
0x52: {  	_ =	shalt  }
0x53: {  	_ =	shalt  }
0x54: {  	_ =	shalt  }
0x55: {  	_ =	shalt  }
0x56: {  	_ =	shalt  }
0x57: {  	_ =	shalt  }
0x58: {  	_ =	shalt  }
0x59: {  	_ =	shalt  }
0x5a: {  	_ =	shalt  }
0x5b: {  	_ =	shalt  }
0x5c: {  	_ =	shalt  }
0x5d: {  	_ =	shalt  }
0x5e: {  	_ =	shalt  }
0x5f: {  	_ =	shalt  }
0x60: {  	_ =	shalt  }
0x61: {  	_ =	shalt  }
0x62: {  	_ =	shalt  }
0x63: {  	_ =	shalt  }
0x64: {  	_ =	shalt  }
0x65: {  	_ =	shalt  }
0x66: {  	_ =	shalt  }
0x67: {  	_ =	shalt  }
0x68: {  	_ =	shalt  }
0x69: {  	_ =	shalt  }
0x6a: {  	_ =	shalt  }
0x6b: {  	_ =	shalt  }
0x6c: {  	_ =	shalt  }
0x6d: {  	_ =	shalt  }
0x6e: {  	_ =	shalt  }
0x6f: {  	_ =	shalt  }
0x70: {  	_ =	shalt  }
0x71: {  	_ =	shalt  }
0x72: {  	_ =	shalt  }
0x73: {  	_ =	shalt  }
0x74: {  	_ =	shalt  }
0x75: {  	_ =	shalt  }
0x76: {  	_ =	shalt  }
0x77: {  	_ =	shalt  }
0x78: {  	_ =	shalt  }
0x79: {  	_ =	shalt  }
0x7a: {  	_ =	shalt  }
0x7b: {  	_ =	shalt  }
0x7c: {  	_ =	shalt  }
0x7d: {  	_ =	shalt  }
0x7e: {  	_ =	shalt  }
0x7f: {  	_ =	shalt  }
0x80: {  	_ =	shalt  }
0x81: {  	_ =	shalt  }
0x82: {  	_ =	shalt  }
0x83: {  	_ =	shalt  }
0x84: {  	_ =	shalt  }
0x85: {  	_ =	shalt  }
0x86: {  	_ =	shalt  }
0x87: {  	_ =	shalt  }
.Lfunc_end0:
.L_simem_size_0:
called_computation.1_lowered:
.L_overlay_start_0:
0x88: {  	s2 =	sld [smem:$0x3FD9]  }
0x89: {  	s3 =	sld [smem:$0x3FFE];
	_ =	sdelay $0x1  }
0x8a: {  	s1 =	srdreg.scid  }
0x8b: {  	s0 =	sand.u32 $0x1, s1  }
0x8c: {  	s15 =	sshll.u32 s0, $0xA;
	s2 =	sadd.s32 s3, s2  }
0x8d: {  	s2 =	sadd.s32 s2, s15  }
0x8e: {  	[smem:$0x3FBA] =	sst s2  }
0x8f: {  	_ = 	snop  }
0x90: {  	s2 =	sld [smem:$0x3FD0];
	_ =	sdelay $0x2  }
0x91: {  	s4 =	simm.s32 $0xB;
	s16 =	simm.s32 $0x10  }
0x92: {  	[smem:s16], [sflag:s4] =	dma.local [hbm:s2], $0x1  }
0x93: {  	_ =	swait.eq [sflag:s4], $0x1  }
0x94: {  	[sflag:s4] =	ssyncset.done $0x0  }
0x95: {  	s17 =	sld [smem:$0x10];
	[sflag:s4] =	ssyncadd.s32 $0xFFFFFFFF  }
0x96: {  	s18 =	sld [smem:$0x13];
	(tm) =	ssettm $0x1  }
0x97: {  	s19 =	sld [smem:$0x3FFB];
	_ =	sdelay $0x3  }
0x98: {  	_ =	strace s19  }
0x99: {  	s2 =	sld [smem:$0x3FFC];
	_ =	sdelay $0x3  }
0x9a: {  	_ =	strace s2  }
0x9b: {  	s2 =	sld [smem:$0x3FFD];
	_ =	sdelay $0x3  }
0x9c: {  	_ =	strace s2  }
0x9d: {  	_ =	strace $0x8FFFFFFF  }
0x9e: {  	s20 =	sld [smem:$0x3FDB];
	_ =	sdelay $0x1  }
0x9f: {  	s5 =	simm.s32 $_scs_section_size  }
0xa0: {  	s6 =	simm.s32 $_size__tile_overlayer_lowered;
	s7 =	simm.s32 $_tile_overlayer_lowered  }
0xa1: {  	s8 =	simm.s32 $0x1BFF;
	s21 =	sshll.u32 s7, $0x1;
	s5 =	sadd.s32 s5, s20  }
0xa2: {  	s22 =	simm.s32 $0x0;
	s6 =	sshll.u32 s6, $0x1;
	s7 =	sadd.s32 s21, s5  }
0xa3: {  	[timem:s22], [sflag:s8] =	dma.local [hbm:s7], s6  }
0xa4: {  	_ =	swait.ge [sflag:s8], s6  }
0xa5: {  	s6 =	ssub.s32 $0x0, s6;
	[sflag:s8] =	ssyncset.done $0x0  }
0xa6: {  	[sflag:s8] =	ssyncadd.s32 s6;
	_ =	sdelay $0x1  }
0xa7: {  	s23 =	simm.s32 $0x1B8B  }
0xa8: {  	_ =	swait.ge [sflag:s23], $0x1  }
0xa9: {  	[sflag:s23] =	ssyncset.done $0x0  }
0xaa: {  	[sflag:s23] =	ssyncadd.s32 $0xFFFFFFFF  }
0xab: {  	s6 =	sld [smem:$0x0]  }
0xac: {  	s7 =	sand.u32 $0xFFFFFFFE, s1  }
0xad: {  	p0 =	sne.s32 s1, s7  }
0xae: {  	s7 =	sshll.u32 @p0 s7, $0xE  }
0xaf: {  	s7 =	sadd.s32 @p0 $0x11B8D, s7;
	s8 =	sshll.u32 @p0 s6, $0x11  }
0xb0: {  	s7 =	sor.u32 @p0 s8, s7  }
0xb1: {  	[sflag:s7] =	ssyncadd.remote.s32 @p0 $0x1;
	_ =	sdelay $0x1  }
0xb2: {  	s7 =	simm.s32 @p0 $0x1B8D  }
0xb3: {  	_ =	swait.eq @p0 [sflag:s7], $0x1  }
0xb4: {  	[sflag:s7] =	ssyncadd.s32 @p0 $0xFFFFFFFF  }
0xb5: {  	s8 =	sshll.u32 @!p0 s1, $0xE  }
0xb6: {  	s8 =	sor.u32 @!p0 $0x4000, s8;
	s7 =	simm.s32 @!p0 $0x1B8D  }
0xb7: {  	s6 =	sshll.u32 @!p0 s6, $0x11;
	s8 =	sadd.s32 @!p0 $0x11B8D, s8;
	_ =	swait.eq @!p0 [sflag:s7], $0x1  }
0xb8: {  	s6 =	sor.u32 @!p0 s6, s8;
	[sflag:s7] =	ssyncadd.s32 @!p0 $0xFFFFFFFF  }
0xb9: {  	s25 =	simm.s32 $0x1B8E;
	s24 =	sld [smem:$0x3FFE];
	[sflag:s6] =	ssyncadd.remote.s32 @!p0 $0x1  }
0xba: {  	s26 =	simm.s32 $execute0_lowered;
	[smem:$0x3FD2] =	sst s25  }
0xbb: {  	s7 =	sshll.u32 s26, $0x1;
	_ =	strace $0x80000049;
	[dreg:$0x1] =	wrdreg $0xFFFFFFFF  }
0xbc: {  	s28 =	simm.s32 $_size_execute0_lowered;
	s5 =	sadd.s32 s5, s7;
	[dreg:$0x0] =	wrdreg $0x0  }
0xbd: {  	s7 =	sshll.u32 s28, $0x1;
	[dreg:$0x2] =	wrdreg s5  }
0xbe: {  	[dreg:$0x3] =	wrdreg s7  }
0xbf: {  	[dreg:$0x4] =	wrdreg $0xC0  }
0xc0: {  	_ =	task [dreg:s22], $0x5FFFF  }
0xc1: {  	[dreg:$0x1] =	wrdreg $0xFFFFFFFF  }
0xc2: {  	[dreg:$0x0] =	wrdreg $0x60  }
0xc3: {  	[dreg:$0x2] =	wrdreg s24  }
0xc4: {  	[dreg:$0x3] =	wrdreg s18  }
0xc5: {  	[dreg:$0x4] =	wrdreg s17  }
0xc6: {  	[dreg:$0x5] =	wrdreg $0xA  }
0xc7: {  	_ =	task.clear_ibuf [dreg:s22], $0x6FFFF;
	_ =	strace $0x90000049  }
0xc8: {  	s29 =	simm.s32 $0xA;
	_ =	strace $0x8000004B  }
0xc9: {  	_ =	swait.ge [sflag:s29], $0x1  }
0xca: {  	[sflag:s29] =	ssyncadd.s32 $0xFFFFFFFF  }
0xcb: {  	_ =	strace $0x9000004B  }
0xcc: {  	_ =	sfence  }
0xcd: {  	s30 =	sld [smem:$0x0];
	_ =	sdelay $0x2  }
0xce: {  	s31 =	sshll.u32 s1, $0xD;
	s1 =	sshrl.u32 s1, $0x2  }
0xcf: {  	s4 =	sand.u32 $0x4000, s31;
	s1 =	sadd.s32 s1, s30  }
0xd0: {  	s0 =	sor.u32 s4, s0;
	s1 =	sshll.u32 s1, $0x11  }
0xd1: {  	s0 =	sor.u32 s1, s0  }
0xd2: {  	s0 =	sadd.s32 $0x8F2B, s0  }
0xd3: {  	[sflag:s0] =	ssyncadd.remote.s32 $0x1  }
0xd4: {  	_ =	sfence.sel $0xFFFF  }
0xd5: {  	[dreg:$0x0] =	wrdreg $0xFFFFFFFF;
	(pc) =	sbr.abs _section_cstart, $3  }
0xd6: {  	[dreg:$0x1] =	wrdreg $0xFFFFFFFF  }
0xd7: {  	_ =	task.clear_ibuf [dreg:s22], $0x2FFFF;
	_ =	strace $0x9FFFFFFF  }
0xd8: {  	(tm) =	ssettm $0x7FFFFFFF  }
0xd9: {  	_ =	shalt  }
tec
execute0_lowered:
.L_overlay_start_1:
0x0: {  	(tag) =	ssettag $0x1  }
0x1: {  	s5 =	rddreg [dreg:$0x0]  }
0x2: {  	s1 =	srdreg.scid;
	s3 =	rddreg [dreg:$0x1]  }
0x3: {  	s0 =	stileid.u32;
	s8 =	rddreg [dreg:$0x2];
	s6 =	sand.u32 $0x1, s1  }
0x4: {  	s2 =	simm.s32 $0x0;
	s4 =	sshll.u32 s0, $0xA;
	s7 =	sshll.u32 s6, $0x9  }
0x5: {  	[smem:$0x7FF] =	sst s2;
	s9 =	sor.u32 s7, s4  }
0x6: {  	s1 =	rddreg [dreg:$0x3];
	_ =	strace $0x8000004A;
	s4 =	sshrl.u32 s9, $0x3  }
0x7: {  	s10 =	ssub.s32 $0x2, s6;
	s4 =	sadd.s32 s3, s4;
	s3 =	simm.s32 $0x2  }
0x8: {  	[tilespmem:s2], [sflag:$0x2] =	stream.linear.gather [hbm4b:s4+s2], $0x200, $0x38;
	[tilespmem:$0x10200] =	vst v63  }
0x9: {  	s5 =	sadd.s32 $0x1200, s5;
	s11 =	sshrl.u32 s10, $0x1;
	_ =	swait.ge [sflag:s3], $0x200  }
0xa: {  	s6 =	simm.s32 $0x200;
	s10 =	ssub.s32 s10, s11;
	[sflag:s3] =	ssyncset.done $0x0  }
0xb: {  	s7 =	simm.s32 $0x1;
	s31 =	smax.u32 s10, $0x1;
	[sflag:s3] =	ssyncadd.s32 $0xFFFFFE00  }
0xc: {  	[tilespmem:s6], [sflag:$0x1] =	stream.indirect.gather [hbm4b:s5+s6], $0x80, s2, s6, $0xb8;
	[tilespmem:$0x10200] =	vst v63  }
0xd: {  	p0 =	sne.s32 s31, $0x1;
	_ =	swait.ge [sflag:s7], $0x10000  }
.Ltmp0:
0xe: {  	s9 =	sshll.u32 s9, $0x4;
	[sflag:s7] =	ssyncset.done $0x0;
	(pc) =	sbr.rel @!p0 .LBB2_2-.Ltmp0, $4  }
0xf: {  	s8 =	sadd.s32 s8, s9;
	[sflag:s7] =	ssyncadd.s32 $0xFFFF0000  }
0x10: {  	[hbm4b:s8+s2] =	stream.linear.scatter [tilespmem:s6], [sflag:$0x2], $0x10000, $0x38;
	[tilespmem:$0x10200] =	vst v63  }
0x11: {  	_ =	swait.ge [sflag:s3], $0x10000  }
0x12: {  	s9 =	sadd.s32 $0xFFFFFFFF, s31;
	[sflag:s3] =	ssyncset.done $0x0  }
.LBB2_1:
0x13: {  	p0 =	sne.s32 s9, $0x1;
	s9 =	sadd.s32 $0xFFFFFFFF, s9;
	[sflag:s3] =	ssyncadd.s32 $0xFFFF0000  }
0x14: {  	[tilespmem:s2], [sflag:$0x2] =	stream.linear.gather [hbm4b:s4+s2], $0x200, $0x38;
	[tilespmem:$0x10200] =	vst v63  }
0x15: {  	_ =	swait.ge [sflag:s3], $0x200  }
0x16: {  	[sflag:s3] =	ssyncset.done $0x0  }
0x17: {  	[sflag:s3] =	ssyncadd.s32 $0xFFFFFE00  }
0x18: {  	[tilespmem:s6], [sflag:$0x1] =	stream.indirect.gather [hbm4b:s5+s6], $0x80, s2, s6, $0xb8;
	[tilespmem:$0x10200] =	vst v63  }
0x19: {  	_ =	swait.ge [sflag:s7], $0x10000  }
.Ltmp1:
0x1a: {  	[sflag:s7] =	ssyncset.done $0x0;
	(pc) =	sbr.rel @p0 .LBB2_1-.Ltmp1, $4  }
0x1b: {  	[sflag:s7] =	ssyncadd.s32 $0xFFFF0000  }
0x1c: {  	[hbm4b:s8+s2] =	stream.linear.scatter [tilespmem:s6], [sflag:$0x2], $0x10000, $0x38;
	[tilespmem:$0x10200] =	vst v63  }
0x1d: {  	_ =	swait.ge [sflag:s3], $0x10000  }
0x1e: {  	[sflag:s3] =	ssyncset.done $0x0  }
.LBB2_2:
0x1f: {  	[sflag:s3] =	ssyncadd.s32 $0xFFFF0000  }
0x20: {  	_ =	sfence.sel $0x180000  }
0x21: {  	[bflag:$0x0] =	sbarrier.arrive $0xFFFF  }
0x22: {  	p0 =	sne.s32 s0, $0x0;
	_ =	strace $0x9000004A  }
0x23: {  	s0 =	sadd.s32 @!p0 $0x100000, s1;
	[bflag:$0x2] =	sbarrier.arrive $0xFFFF  }
0x24: {  	[sflag:s0] =	ssyncadd.tile.s32 @!p0 $0x1;
	_ =	shalt  }
.Lfunc_end2:
_tile_overlayer_lowered:
.L_overlay_start_2:
0x25: {  	(tag) =	ssettag $0x2  }
0x26: {  	s0 =	rddreg [dreg:$0x0];
	s2 =	stileid.u32  }
0x27: {  	s1 =	rddreg [dreg:$0x1];
	p0 =	sne.s32 s2, $0x0  }
0x28: {  	s3 =	rddreg [dreg:$0x2];
	[bflag:$0x3] =	sbarrier.arrive $0xFFFF;
	s2 =	simm.s32 @!p0 $0x1C02  }
0x29: {  	[timem:s3], [sflag:s2] =	dma.local @!p0 [hbm:s0], s1  }
0x2a: {  	s0 =	simm.s32 @!p0 $0x2  }
0x2b: {  	_ =	swait.ge @!p0 [sflag:s0], s1  }
0x2c: {  	s1 =	ssub.s32 @!p0 $0x0, s1;
	[sflag:s0] =	ssyncset.done @!p0 $0x0  }
0x2d: {  	[sflag:s0] =	ssyncadd.s32 @!p0 s1  }
0x2e: {  	[bflag:$0x3] =	sbarrier.arrive $0xFFFF  }
0x2f: {  	_ =	shalt  }

// kernel: scatter_offload_async_start
scs
__scs_entry_jumppad:
0x0: {  	(pc) =	sbr.rel $0x88, $3  }
0x1: {  	(tag) =	ssettag $0x0;
	lr =	simm.s32 $0x1  }
0x2: {  	[smem:$0x3F93] =	sst lr;
	_ =	strace $0xD0000000  }
0x3: {  	_ = 	snop  }
0x4: {  	_ = 	snop  }
0x5: {  	_ = 	snop  }
0x6: {  	_ = 	snop  }
0x7: {  	_ = 	snop  }
__scs_overlays_trampoline_lowered:
0x8: {  	[smem:$0x3FA2] =	sst s0  }
0x9: {  	[smem:$0x3FA3] =	sst s1  }
0xa: {  	[smem:$0x3FA4] =	sst s2  }
0xb: {  	[smem:$0x3FA5] =	sst s3  }
0xc: {  	[smem:$0x3FA6] =	sst s4  }
0xd: {  	[smem:$0x3FA7] =	sst s5  }
0xe: {  	[smem:$0x3FA8] =	sst s6  }
0xf: {  	[smem:$0x3FA9] =	sst s7  }
0x10: {  	[smem:$0x3FAA] =	sst s8  }
0x11: {  	[smem:$0x3FAB] =	sst s9;
	s0 =	simm.s32 @!p0 $0x0  }
0x12: {  	s1 =	sld [smem:$0x3F91];
	s0 =	simm.s32 @p0 $0x1  }
0x13: {  	[smem:$0x3FAC] =	sst s0;
	s0 =	simm.s32 @!p1 $0x0  }
0x14: {  	s2 =	sld [smem:$0x3F90];
	s0 =	simm.s32 @p1 $0x1  }
0x15: {  	[smem:$0x3FAD] =	sst s0;
	s0 =	simm.s32 @!p2 $0x0  }
0x16: {  	s3 =	sld [smem:$0x3FDB];
	s0 =	simm.s32 @p2 $0x1  }
0x17: {  	s4 =	simm.s32 $0x1BF5;
	[smem:$0x3FAF] =	sst s0  }
0x18: {  	s0 =	sld [smem:$0x3F92];
	_ =	swait.ge [sflag:s4], $0x0  }
0x19: {  	s7 =	sld [smem:$0x3F93]  }
0x1a: {  	s8 =	sadd.s32 $0xFFFFE003, lr  }
0x1b: {  	s9 =	sadd.s32 $0xFFFFFEF7, lr;
	s5 =	simm.s32 $0xFFFFFFFF;
	p2 =	slt.u32 s8, $0xFFFFF086  }
0x1c: {  	p1 =	slt.u32 s9, $0xF7A;
	s5 =	simm.s32 @!p2 $0x0  }
0x1d: {  	s5 =	simm.s32 @p1 $0x1;
	p0 =	seq.s32 s7, s2  }
0x1e: {  	s7 =	smul.u32 @!p0 $0xF7A, s2;
	p2 =	seq.s32 @!p0 s5, $0x0  }
0x1f: {  	s9 =	smul.u32 $0xF7A, s1;
	s8 =	simm.s32 @!p0 $0x1BF5;
	p2 =	por !p2, p0  }
0x20: {  	[sflag:s8] =	ssyncset.s32 @!p0 $0xFFFFF086;
	s6 =	sadd.s32 @!p0 s3, s7;
	s7 =	simm.s32 @!p0 $0x108  }
0x21: {  	s3 =	sadd.s32 s3, s9;
	s6 =	sadd.s32 @!p0 $0x88, s6;
	s7 =	simm.s32 @p2 $0x1082  }
0x22: {  	[simem:s7], [sflag:s8] =	dma.local @!p0 [hbm:s6], $0xF7A  }
0x23: {  	s9 =	sor.u32 $0xD0000000, s2;
	s6 =	simm.s32 $0x108;
	_ =	swait.ge @!p0 [sflag:s8], $0x0  }
0x24: {  	s3 =	sadd.s32 $0x88, s3;
	s6 =	simm.s32 @!p1 $0x1082;
	[sflag:s4] =	ssyncset.s32 $0xFFFFF086  }
0x25: {  	[simem:s6], [sflag:s4] =	dma.local [hbm:s3], $0xF7A  }
0x26: {  	[smem:$0x3F93] =	sst s1;
	(tag) =	ssettag s2;
	_ =	strace s9  }
0x27: {  	s1 =	sld [smem:$0x3FA3]  }
0x28: {  	s2 =	sld [smem:$0x3FA4]  }
0x29: {  	s4 =	sld [smem:$0x3FA6]  }
0x2a: {  	p0 =	seq.s32 s5, $0x0;
	s5 =	sld [smem:$0x3FA7]  }
0x2b: {  	s6 =	sld [smem:$0x3FA8]  }
0x2c: {  	s7 =	sld [smem:$0x3FA9]  }
0x2d: {  	s3 =	simm.s32 $0x108;
	s8 =	sld [smem:$0x3FAA]  }
0x2e: {  	s3 =	simm.s32 @!p0 $0x1082;
	s9 =	sld [smem:$0x3FAB]  }
0x2f: {  	lr =	sadd.s32 s0, s3;
	s0 =	sld [smem:$0x3FA2]  }
0x30: {  	s3 =	sld [smem:$0x3FA5]  }
0x31: {  	[smem:$0x3FAE] =	sst s10  }
0x32: {  	s10 =	sld [smem:$0x3FAC];
	_ =	sdelay $0x3  }
0x33: {  	p0 =	seq.s32 s10, $0x1;
	s10 =	sld [smem:$0x3FAE];
	_ =	sdelay $0x3  }
0x34: {  	[smem:$0x3FAE] =	sst s10  }
0x35: {  	s10 =	sld [smem:$0x3FAD];
	_ =	sdelay $0x3  }
0x36: {  	p1 =	seq.s32 s10, $0x1;
	s10 =	sld [smem:$0x3FAE];
	_ =	sdelay $0x3  }
0x37: {  	[smem:$0x3FAE] =	sst s10  }
0x38: {  	s10 =	sld [smem:$0x3FAF]  }
0x39: {  	_ = 	snop;
	(pc) =	sbr.ind lr, $3  }
0x3a: {  	_ = 	snop  }
0x3b: {  	_ = 	snop  }
0x3c: {  	p2 =	seq.s32 s10, $0x1;
	s10 =	sld [smem:$0x3FAE]  }
0x3d: {  	_ =	shalt  }
0x3e: {  	_ =	shalt  }
0x3f: {  	_ =	shalt  }
0x40: {  	_ =	shalt  }
0x41: {  	_ =	shalt  }
0x42: {  	_ =	shalt  }
0x43: {  	_ =	shalt  }
0x44: {  	_ =	shalt  }
0x45: {  	_ =	shalt  }
0x46: {  	_ =	shalt  }
0x47: {  	_ =	shalt  }
0x48: {  	_ =	shalt  }
0x49: {  	_ =	shalt  }
0x4a: {  	_ =	shalt  }
0x4b: {  	_ =	shalt  }
0x4c: {  	_ =	shalt  }
0x4d: {  	_ =	shalt  }
0x4e: {  	_ =	shalt  }
0x4f: {  	_ =	shalt  }
0x50: {  	_ =	shalt  }
0x51: {  	_ =	shalt  }
0x52: {  	_ =	shalt  }
0x53: {  	_ =	shalt  }
0x54: {  	_ =	shalt  }
0x55: {  	_ =	shalt  }
0x56: {  	_ =	shalt  }
0x57: {  	_ =	shalt  }
0x58: {  	_ =	shalt  }
0x59: {  	_ =	shalt  }
0x5a: {  	_ =	shalt  }
0x5b: {  	_ =	shalt  }
0x5c: {  	_ =	shalt  }
0x5d: {  	_ =	shalt  }
0x5e: {  	_ =	shalt  }
0x5f: {  	_ =	shalt  }
0x60: {  	_ =	shalt  }
0x61: {  	_ =	shalt  }
0x62: {  	_ =	shalt  }
0x63: {  	_ =	shalt  }
0x64: {  	_ =	shalt  }
0x65: {  	_ =	shalt  }
0x66: {  	_ =	shalt  }
0x67: {  	_ =	shalt  }
0x68: {  	_ =	shalt  }
0x69: {  	_ =	shalt  }
0x6a: {  	_ =	shalt  }
0x6b: {  	_ =	shalt  }
0x6c: {  	_ =	shalt  }
0x6d: {  	_ =	shalt  }
0x6e: {  	_ =	shalt  }
0x6f: {  	_ =	shalt  }
0x70: {  	_ =	shalt  }
0x71: {  	_ =	shalt  }
0x72: {  	_ =	shalt  }
0x73: {  	_ =	shalt  }
0x74: {  	_ =	shalt  }
0x75: {  	_ =	shalt  }
0x76: {  	_ =	shalt  }
0x77: {  	_ =	shalt  }
0x78: {  	_ =	shalt  }
0x79: {  	_ =	shalt  }
0x7a: {  	_ =	shalt  }
0x7b: {  	_ =	shalt  }
0x7c: {  	_ =	shalt  }
0x7d: {  	_ =	shalt  }
0x7e: {  	_ =	shalt  }
0x7f: {  	_ =	shalt  }
0x80: {  	_ =	shalt  }
0x81: {  	_ =	shalt  }
0x82: {  	_ =	shalt  }
0x83: {  	_ =	shalt  }
0x84: {  	_ =	shalt  }
0x85: {  	_ =	shalt  }
0x86: {  	_ =	shalt  }
0x87: {  	_ =	shalt  }
.Lfunc_end0:
.L_simem_size_0:
called_computation_lowered:
.L_overlay_start_0:
0x88: {  	s0 =	sld [smem:$0x3FD9]  }
0x89: {  	s1 =	sld [smem:$0x3FFE];
	_ =	sdelay $0x3  }
0x8a: {  	s0 =	sadd.s32 s1, s0  }
0x8b: {  	[smem:$0x3FBA] =	sst s0  }
0x8c: {  	_ = 	snop  }
0x8d: {  	(tm) =	ssettm $0x1  }
0x8e: {  	s15 =	sld [smem:$0x3FFB];
	_ =	sdelay $0x3  }
0x8f: {  	_ =	strace s15  }
0x90: {  	s0 =	sld [smem:$0x3FFC];
	_ =	sdelay $0x3  }
0x91: {  	_ =	strace s0  }
0x92: {  	s0 =	sld [smem:$0x3FFD];
	_ =	sdelay $0x3  }
0x93: {  	_ =	strace s0  }
0x94: {  	_ =	strace $0x8FFFFFFF  }
0x95: {  	s16 =	sld [smem:$0x3FDB];
	_ =	sdelay $0x1  }
0x96: {  	s17 =	simm.s32 $_scs_section_size  }
0x97: {  	s2 =	simm.s32 $_size__tile_overlayer_lowered;
	s3 =	simm.s32 $_tile_overlayer_lowered  }
0x98: {  	s20 =	simm.s32 $0x1BFF;
	s19 =	sshll.u32 s3, $0x1;
	s0 =	sadd.s32 s17, s16  }
0x99: {  	s4 =	simm.s32 $0x0;
	s18 =	sshll.u32 s2, $0x1;
	s2 =	sadd.s32 s19, s0  }
0x9a: {  	[timem:s4], [sflag:s20] =	dma.local [hbm:s2], s18  }
0x9b: {  	_ =	swait.ge [sflag:s20], s18  }
0x9c: {  	s1 =	ssub.s32 $0x0, s18;
	[sflag:s20] =	ssyncset.done $0x0  }
0x9d: {  	[sflag:s20] =	ssyncadd.s32 s1;
	_ =	sdelay $0x1  }
0x9e: {  	s21 =	simm.s32 $0x1B8B  }
0x9f: {  	_ =	swait.ge [sflag:s21], $0x1  }
0xa0: {  	[sflag:s21] =	ssyncset.done $0x0  }
0xa1: {  	s23 =	simm.s32 $0x1B8E;
	s22 =	sld [smem:$0x3FFE];
	[sflag:s21] =	ssyncadd.s32 $0xFFFFFFFF  }
0xa2: {  	s24 =	simm.s32 $execute0_lowered;
	[smem:$0x3FD2] =	sst s23  }
0xa3: {  	s2 =	sshll.u32 s24, $0x1;
	_ =	strace $0x80000046;
	[dreg:$0x1] =	wrdreg $0xFFFFFFFF  }
0xa4: {  	s25 =	simm.s32 $_size_execute0_lowered;
	s0 =	sadd.s32 s0, s2;
	[dreg:$0x0] =	wrdreg $0x0  }
0xa5: {  	s2 =	sshll.u32 s25, $0x1;
	[dreg:$0x2] =	wrdreg s0  }
0xa6: {  	[dreg:$0x3] =	wrdreg s2  }
0xa7: {  	[dreg:$0x4] =	wrdreg $0xC0  }
0xa8: {  	_ =	task [dreg:s4], $0x5FFFF  }
0xa9: {  	[dreg:$0x1] =	wrdreg $0xFFFFFFFF  }
0xaa: {  	[dreg:$0x0] =	wrdreg $0x60  }
0xab: {  	[dreg:$0x2] =	wrdreg s22  }
0xac: {  	[dreg:$0x3] =	wrdreg $0x9  }
0xad: {  	_ =	task.clear_ibuf [dreg:s4], $0x4FFFF;
	_ =	strace $0x90000046  }
0xae: {  	s26 =	simm.s32 $0x9;
	_ =	strace $0x80000048  }
0xaf: {  	_ =	swait.ge [sflag:s26], $0x1  }
0xb0: {  	[sflag:s26] =	ssyncadd.s32 $0xFFFFFFFF  }
0xb1: {  	_ =	strace $0x90000048  }
0xb2: {  	_ =	sfence  }
0xb3: {  	s28 =	sld [smem:$0x0];
	_ =	sdelay $0x1  }
0xb4: {  	s29 =	srdreg.scid  }
0xb5: {  	s30 =	sshll.u32 s29, $0xD;
	s31 =	sshrl.u32 s29, $0x2  }
0xb6: {  	s1 =	sand.u32 $0x1, s29;
	s2 =	sand.u32 $0x4000, s30;
	s0 =	sadd.s32 s31, s28  }
0xb7: {  	s1 =	sor.u32 s2, s1;
	s0 =	sshll.u32 s0, $0x11  }
0xb8: {  	s0 =	sor.u32 s0, s1  }
0xb9: {  	s0 =	sadd.s32 $0x8F2B, s0  }
0xba: {  	[sflag:s0] =	ssyncadd.remote.s32 $0x1  }
0xbb: {  	_ =	sfence.sel $0xFFFF  }
0xbc: {  	[dreg:$0x0] =	wrdreg $0xFFFFFFFF;
	(pc) =	sbr.abs _section_cstart, $3  }
0xbd: {  	[dreg:$0x1] =	wrdreg $0xFFFFFFFF  }
0xbe: {  	_ =	task.clear_ibuf [dreg:s4], $0x2FFFF;
	_ =	strace $0x9FFFFFFF  }
0xbf: {  	(tm) =	ssettm $0x7FFFFFFF  }
tec
execute0_lowered:
.L_overlay_start_1:
0x0: {  	(tag) =	ssettag $0x1  }
0x1: {  	s2 =	rddreg [dreg:$0x0]  }
0x2: {  	s0 =	rddreg [dreg:$0x1];
	_ =	strace $0x80000047;
	s3 =	stileid.u32  }
0x3: {  	s4 =	simm.s32 $0x3E;
	s1 =	sadd.s32 $0x21A00, s2;
	p0 =	sne.s32 s3, $0x0  }
0x4: {  	[sflag:s4] =	ssyncpa.u1 $0x0;
	s5 =	simm.s32 @!p0 $0x1C3E;
	s6 =	simm.s32 @!p0 $0x0  }
0x5: {  	[spmem:s6], [sflag:s5] =	dma.local @!p0 [hbm:s1], $0x400  }
0x6: {  	s5 =	simm.s32 @!p0 $0x3E  }
0x7: {  	_ =	swait.ge @!p0 [sflag:s5], $0x400  }
0x8: {  	[sflag:s5] =	ssyncset.done @!p0 $0x0  }
0x9: {  	s26 =	simm.s32 $0x1;
	[sflag:s5] =	ssyncadd.s32 @!p0 $0xFFFFFC00  }
0xa: {  	s29 =	simm.s32 $0x2;
	s7 =	simm.s32 $0x600;
	[bflag:$0x0] =	sbarrier.arrive $0xFFFF  }
0xb: {  	s28 =	sadd.s32 $0xA00, s2;
	s30 =	sadd.s32 $0x21200, s2;
	[sflag:s4] =	ssyncpa.u1 $0x1  }
0xc: {  	s3 =	sshll.u32 s3, $0x7;
	s2 =	simm.s32 $0x0;
	[sflag:s26] =	ssyncpa.u1 $0x0  }
0xd: {  	s4 =	sadd.s32 s28, s3;
	(ifvalue) =	ssetifvalue $0x2000;
	[sflag:s29] =	ssyncpa.u1 $0x0  }
0xe: {  	[tilespmem:s7], [sflag:$0x2] =	stream.linear.gather [hbm4b:s4+s2], $0x400, $0x38;
	[tilespmem:$0x1200] =	vst v63  }
0xf: {  	s31 =	sadd.s32 s30, s3;
	s3 =	simm.s32 $0xE00  }
0x10: {  	[tilespmem:s3], [sflag:$0x2] =	stream.linear.gather [hbm4b:s31+s2], $0x400, $0x38;
	[tilespmem:$0x1200] =	vst v63  }
0x11: {  	_ =	swait.ge [sflag:s29], $0x800  }
0x12: {  	[sflag:s29] =	ssyncset.done $0x0  }
0x13: {  	[sflag:s29] =	ssyncadd.s32 $0xFFFFF800  }
0x14: {  	v0 =	vld.msk [tilespmem:s7+$0x0 ss:$0x1], $0xffff;
	_ =	sdelay $0x4  }
0x15: {  	v0 =	vmin.u32 v0, $0x2000;
	_ =	sdelay $0x3  }
0x16: {  	vm0 =	vmmov $0xffff;
	s5 =	simm.s32 $0x610;
	s4 =	simm.s32 $0x0  }
0x17: {  	[spmem:s2] =	stream.indirect_vreg.scatter.add.s32 [tilespmem:s3], [sflag:$0x1], $0x1, v0, vm0, $0x4038;
	[tilespmem:$0x1200] =	vst v63  }
.LBB2_1:
0x18: {  	v0 =	vld.msk [tilespmem:s5+$0x0 ss:$0x1], $0xffff;
	s4 =	sadd.s32 $0x10, s4  }
0x19: {  	p1 =	slt.u32 s4, $0x3F0;
	_ =	sdelay $0x4  }
0x1a: {  	v0 =	vmin.u32 v0, $0x2000  }
.Ltmp0:
0x1b: {  	(pc) =	sbr.rel @p1 .LBB2_1-.Ltmp0, $3  }
0x1c: {  	_ =	sdelay $0x1  }
0x1d: {  	s5 =	sadd.s32 $0x10, s5;
	s3 =	sadd.s32 $0x10, s3  }
0x1e: {  	[spmem:s2] =	stream.indirect_vreg.scatter.add.s32 [tilespmem:s3], [sflag:$0x1], $0x1, v0, vm0, $0x4038;
	[tilespmem:$0x1200] =	vst v63  }
0x1f: {  	s2 =	simm.s32 $0x1  }
0x20: {  	_ =	swait.ge [sflag:s2], $0x400  }
0x21: {  	[sflag:s2] =	ssyncset.done $0x0  }
0x22: {  	[sflag:s2] =	ssyncadd.s32 $0xFFFFFC00  }
0x23: {  	_ =	sfence.sel $0x180000  }
0x24: {  	s3 =	simm.s32 $0x2;
	[bflag:$0x0] =	sbarrier.arrive $0xFFFF  }
0x25: {  	[sflag:s3] =	ssyncpa.u1 $0x1  }
0x26: {  	[sflag:s2] =	ssyncpa.u1 $0x1  }
0x27: {  	_ =	sfence.stream.spmem  }
0x28: {  	s31 =	simm.s32 $0x3D;
	[bflag:$0x0] =	sbarrier.arrive $0xFFFF  }
0x29: {  	s2 =	simm.s32 @p0 $0x3D;
	[sflag:s31] =	ssyncpa.u1 $0x0  }
0x2a: {  	[sflag:s2] =	ssyncpa.u1 @p0 $0x1  }
0x2b: {  	[bflag:$0x0] =	sbarrier.arrive @p0 $0xFFFF  }
0x2c: {  	_ =	strace @p0 $0x90000047  }
0x2d: {  	s3 =	simm.s32 @!p0 $0x1C3D;
	s2 =	simm.s32 @!p0 $0x0;
	[bflag:$0x2] =	sbarrier.arrive @p0 $0xFFFF  }
0x2e: {  	[hbm:s1], [sflag:s3] =	dma.local @!p0 [spmem:s2], $0x400  }
0x2f: {  	s1 =	simm.s32 @!p0 $0x3D  }
0x30: {  	_ =	swait.ge @!p0 [sflag:s1], $0x400  }
0x31: {  	[sflag:s1] =	ssyncset.done @!p0 $0x0  }
0x32: {  	[sflag:s1] =	ssyncadd.s32 @!p0 $0xFFFFFC00  }
0x33: {  	[sflag:s1] =	ssyncpa.u1 @!p0 $0x1  }
0x34: {  	[bflag:$0x0] =	sbarrier.arrive @!p0 $0xFFFF  }
0x35: {  	_ =	strace @!p0 $0x90000047  }
0x36: {  	s0 =	sadd.s32 @!p0 $0x100000, s0;
	[bflag:$0x2] =	sbarrier.arrive @!p0 $0xFFFF  }
0x37: {  	[sflag:s0] =	ssyncadd.tile.s32 @!p0 $0x1;
	_ =	shalt  }
.Lfunc_end2:
_tile_overlayer_lowered:
.L_overlay_start_2:
0x38: {  	(tag) =	ssettag $0x2  }
0x39: {  	s0 =	rddreg [dreg:$0x0];
	s2 =	stileid.u32  }
0x3a: {  	s1 =	rddreg [dreg:$0x1];
	p0 =	sne.s32 s2, $0x0  }
0x3b: {  	s3 =	rddreg [dreg:$0x2];
	[bflag:$0x3] =	sbarrier.arrive $0xFFFF;
	s2 =	simm.s32 @!p0 $0x1C01  }
0x3c: {  	[timem:s3], [sflag:s2] =	dma.local @!p0 [hbm:s0], s1  }
0x3d: {  	s0 =	simm.s32 @!p0 $0x1  }
0x3e: {  	_ =	swait.ge @!p0 [sflag:s0], s1  }
0x3f: {  	s1 =	ssub.s32 @!p0 $0x0, s1;
	[sflag:s0] =	ssyncset.done @!p0 $0x0  }
0x40: {  	[sflag:s0] =	ssyncadd.s32 @!p0 s1  }
0x41: {  	[bflag:$0x3] =	sbarrier.arrive $0xFFFF  }
0x42: {  	_ =	shalt  }

</sc_bundles>
